<compile_context>
chip_gen: v7x
topology: tpu7x:2x2x1
jax: 0.10.2.dev20260603
libtpu: 0.0.44.dev20260713+nightly
codegen_flags: <defaults>
</compile_context>

<pallas_src>
import functools

import jax
import jax.numpy as jnp
from jax import lax
from jax.experimental import pallas as pl
from jax.experimental.pallas import tpu as pltpu
from jax.experimental.pallas import tpu_sc as plsc

N_NODES = 10000
N_EDGES = 320000
D_FEAT = 128
POS_DIM = 4

D_PAD = 144
CHUNK = 128
NC = 2
NS = 16
NW = NC * NS
N_CHUNKS = 80
PER_W = N_CHUNKS * CHUNK
E_PAD = PER_W * NW
ROWS_PER_TILE = 640
ACC_ROWS = ROWS_PER_TILE * NS
PAD_ROW = N_NODES
XP_ROWS = 10048

_mesh = plsc.VectorSubcoreMesh(core_axis_name="c", subcore_axis_name="s")


NCH_C0 = 92
NCH_C1 = (NW * N_CHUNKS - NS * NCH_C0) // NS


@functools.partial(
    pl.kernel,
    out_type=jax.ShapeDtypeStruct((NC, ACC_ROWS, D_PAD), jnp.bfloat16),
    mesh=_mesh,
    scratch_types=[
        pltpu.VMEM((2, CHUNK), jnp.int32),
        pltpu.VMEM((2, CHUNK), jnp.int32),
        pltpu.VMEM((CHUNK, D_PAD), jnp.bfloat16),
        pltpu.VMEM((CHUNK, D_PAD), jnp.bfloat16),
        pltpu.VMEM_SHARED((ACC_ROWS, D_PAD), jnp.bfloat16),
        pltpu.VMEM_SHARED((XP_ROWS, D_PAD), jnp.bfloat16),
        pltpu.SemaphoreType.DMA,
        pltpu.SemaphoreType.DMA,
    ],
    compiler_params=pltpu.CompilerParams(use_tc_tiling_on_sc=False),
)
def _sc_scatter_accum(xp_hbm, edges_hbm, z_hbm, out_hbm,
                      idx_a, idx_b, rows_a, rows_b, acc, xp_spm, sem_a, sem_b):
    c = lax.axis_index("c")
    s = lax.axis_index("s")

    pltpu.sync_copy(
        xp_hbm.at[pl.ds(s * (XP_ROWS // NS), XP_ROWS // NS)],
        xp_spm.at[pl.ds(s * (XP_ROWS // NS), XP_ROWS // NS)])

    pltpu.sync_copy(z_hbm, rows_a)
    for b in range(ROWS_PER_TILE // CHUNK):
        pltpu.sync_copy(
            rows_a, acc.at[pl.ds(s * ROWS_PER_TILE + b * CHUNK, CHUNK)])
    plsc.subcore_barrier()

    def wait_gather(rows, sem):
        pltpu.make_async_copy(xp_hbm.at[pl.ds(0, CHUNK)], rows, sem).wait()

    def load_idx(ch, idx):
        pltpu.sync_copy(edges_hbm.at[ch], idx)

    def run_edges(table_a, table_b, cbase, nch):
        load_idx(cbase, idx_a)
        pltpu.async_copy(table_a.at[idx_a.at[0]], rows_a, sem_a)
        load_idx(cbase + 1, idx_b)
        pltpu.async_copy(table_b.at[idx_b.at[0]], rows_b, sem_b)

        def body(i, carry):
            ch = cbase + 2 * i
            wait_gather(rows_a, sem_a)
            pltpu.sync_copy(rows_a, acc.at[idx_a.at[1]], add=True)
            load_idx(ch + 2, idx_a)
            pltpu.async_copy(table_a.at[idx_a.at[0]], rows_a, sem_a)
            wait_gather(rows_b, sem_b)
            pltpu.sync_copy(rows_b, acc.at[idx_b.at[1]], add=True)
            load_idx(ch + 3, idx_b)
            pltpu.async_copy(table_b.at[idx_b.at[0]], rows_b, sem_b)
            return carry

        lax.fori_loop(0, nch // 2 - 1, body, 0)

        wait_gather(rows_a, sem_a)
        pltpu.sync_copy(rows_a, acc.at[idx_a.at[1]], add=True)
        wait_gather(rows_b, sem_b)
        pltpu.sync_copy(rows_b, acc.at[idx_b.at[1]], add=True)

    @pl.when(c == 0)
    def _run_c0():
        run_edges(xp_hbm, xp_spm, s * NCH_C0, NCH_C0)

    @pl.when(c == 1)
    def _run_c1():
        run_edges(xp_spm, xp_spm, NS * NCH_C0 + s * NCH_C1, NCH_C1)

    plsc.subcore_barrier()

    pltpu.sync_copy(
        acc.at[pl.ds(s * ROWS_PER_TILE, ROWS_PER_TILE)],
        out_hbm.at[c, pl.ds(s * ROWS_PER_TILE, ROWS_PER_TILE)],
    )


_R = 400


def _combine_body(part_ref, x_ref, pos_ref, out_ref):
    p = part_ref[0].astype(jnp.float32) + part_ref[1].astype(jnp.float32)
    deg = p[:, D_FEAT + POS_DIM:D_FEAT + POS_DIM + 1]
    outx = p[:, :D_FEAT] + x_ref[...]
    outp = p[:, D_FEAT:D_FEAT + POS_DIM] - deg * pos_ref[...]
    out_ref[...] = jnp.concatenate([outx, outp], axis=1)


_combine = pl.pallas_call(
    _combine_body,
    grid=(N_NODES // _R,),
    in_specs=[
        pl.BlockSpec((NC, _R, D_PAD), lambda i: (0, i, 0)),
        pl.BlockSpec((_R, D_FEAT), lambda i: (i, 0)),
        pl.BlockSpec((_R, POS_DIM), lambda i: (i, 0)),
    ],
    out_specs=pl.BlockSpec((_R, D_FEAT + POS_DIM), lambda i: (i, 0)),
    out_shape=jax.ShapeDtypeStruct((N_NODES, D_FEAT + POS_DIM), jnp.float32),
)


def kernel(x, pos, edge_index):
    ei = edge_index.astype(jnp.int32)
    pad = jnp.full((2, E_PAD - N_EDGES), PAD_ROW, jnp.int32)
    edges = jnp.concatenate([ei, pad], axis=1)
    edges = edges.reshape(2, E_PAD // CHUNK, CHUNK).transpose(1, 0, 2)
    xp = jnp.concatenate(
        [x, pos, jnp.ones((N_NODES, 1), jnp.float32)], axis=1)
    xp = jnp.pad(xp, ((0, XP_ROWS - N_NODES), (0, D_PAD - (D_FEAT + POS_DIM + 1))))
    xp = xp.astype(jnp.bfloat16)
    zeros_chunk = jnp.zeros((CHUNK, D_PAD), jnp.bfloat16)
    part = _sc_scatter_accum(xp, edges, zeros_chunk)
    return _combine(part, x, pos)

# --- scband reference (transcript-rebuilt; emitter-appended) ---
"""Pipeline reference for scband-my-point-conv-56556129354629 (READ-ONLY COPY).

The authoritative reference and input builder live on the scoring server;
editing this copy changes nothing except your own understanding.
"""

import jax, jax.numpy as jnp
import numpy as np

N_NODES = 10000
N_EDGES = 320000
D_FEAT = 128
POS_DIM = 4


def setup_inputs(seed: int = 0) -> dict:
    key = jax.random.key(seed)
    k1, k2, k3 = jax.random.split(key, 3)
    x = jax.random.normal(k1, (N_NODES, D_FEAT), dtype=jnp.float32)
    pos = jax.random.normal(k2, (N_NODES, POS_DIM), dtype=jnp.float32)
    edge_index = jax.random.randint(k3, (2, N_EDGES), 0, N_NODES)
    return {"x": x, "pos": pos, "edge_index": edge_index}


def reference(x, pos, edge_index):
    # MyPointConv with local_nn=None, global_nn=None, aggr='add', add_self_loops=True
    # (PyG PointNetConv semantics):
    #   for each edge (j -> i): msg = concat([x[j], pos[j] - pos[i]])
    #   out[i] = sum over incoming edges of msg  (including self-loop edge (i, i))
    N = x.shape[0]
    loop = jnp.arange(N, dtype=edge_index.dtype)
    ei = jnp.concatenate([edge_index, jnp.stack([loop, loop], axis=0)], axis=1)
    src = ei[0]
    dst = ei[1]
    x_j = jnp.take(x, src, axis=0)                # gather [E+N, d_feat]
    rel_pos = jnp.take(pos, src, axis=0) - jnp.take(pos, dst, axis=0)  # [E+N, pos_dim]
    msg = jnp.concatenate([x_j, rel_pos], axis=-1)  # [E+N, d_feat + pos_dim]
    out = jax.ops.segment_sum(msg, dst, num_segments=N)  # scatter-add -> [N, d_feat + pos_dim]
    return out

if __name__ == "__main__":
    import jax
    _d = setup_inputs()
    print(jax.jit(kernel)(*tuple(_d.values())))

</pallas_src>

<mosaic_0001>
#map = affine_map<(d0, d1) -> (0, 0)>
#map1 = affine_map<(d0, d1) -> (0, 0, 0)>
module attributes {stable_mosaic.version = 14 : i64} {
  func.func @_sc_scatter_accum(%arg0: i32, %arg1: i32, %arg2: memref<10048x144xbf16, #tpu.memory_space<hbm>>, %arg3: memref<2560x2x128xi32, #tpu.memory_space<hbm>>, %arg4: memref<128x144xbf16, #tpu.memory_space<hbm>>, %arg5: memref<2x10240x144xbf16, #tpu.memory_space<hbm>>, %arg6: memref<2x128xi32, #tpu.memory_space<vmem>>, %arg7: memref<2x128xi32, #tpu.memory_space<vmem>>, %arg8: memref<128x144xbf16, #tpu.memory_space<vmem>>, %arg9: memref<128x144xbf16, #tpu.memory_space<vmem>>, %arg10: memref<10240x144xbf16, #tpu.memory_space<vmem_shared>>, %arg11: memref<10048x144xbf16, #tpu.memory_space<vmem_shared>>, %arg12: memref<!tpu.dma_semaphore, #tpu.memory_space<semaphore_mem>>, %arg13: memref<!tpu.dma_semaphore, #tpu.memory_space<semaphore_mem>>) attributes {dimension_semantics = [#tpu.dimension_semantics<core_parallel>, #tpu.dimension_semantics<subcore_parallel>], iteration_bounds = array<i64: 2, 16>, scalar_prefetch = 0 : i64, scratch_operands = 8 : i64, tpu.core_type = #tpu.core_type<sc_vector_subcore>, window_params = [{transform_indices = #map}, {transform_indices = #map1}, {transform_indices = #map}, {transform_indices = #map1}]} {
    %mul3A = arith.constant 628 : i32
    %mul3A_0 = arith.muli %arg1, %mul3A : i32
    %mul3A_1 = arith.constant 628 : i32
    %mul3A_2 = arith.muli %arg1, %mul3A_1 : i32
    "tpu.region"() ({
      %run_scoped3A = tpu.sem_alloc : memref<!tpu.dma_semaphore, #tpu.memory_space<semaphore_mem>>
      %dma_start3A = arith.constant 0 : i32
      %dma_start3A_34 = tpu.memref_slice %arg11[%mul3A_2, %dma_start3A] : memref<10048x144xbf16, #tpu.memory_space<vmem_shared>> -> memref<628x144xbf16, #tpu.memory_space<vmem_shared>>
      %dma_start3A_35 = arith.constant 0 : i32
      %dma_start3A_36 = tpu.memref_slice %arg2[%mul3A_0, %dma_start3A_35] : memref<10048x144xbf16, #tpu.memory_space<hbm>> -> memref<628x144xbf16, #tpu.memory_space<hbm>>
      tpu.enqueue_dma source(%dma_start3A_36 : memref<628x144xbf16, #tpu.memory_space<hbm>>) target(%dma_start3A_34 : memref<628x144xbf16, #tpu.memory_space<vmem_shared>>) target_semaphore(%run_scoped3A : memref<!tpu.dma_semaphore, #tpu.memory_space<semaphore_mem>>)
      %dma_wait3A = arith.constant 0 : i32
      %dma_wait3A_37 = tpu.memref_slice %arg11[%mul3A_2, %dma_wait3A] : memref<10048x144xbf16, #tpu.memory_space<vmem_shared>> -> memref<628x144xbf16, #tpu.memory_space<vmem_shared>>
      %dma_wait3A_38 = arith.constant 0 : i32
      %dma_wait3A_39 = tpu.memref_slice %arg2[%mul3A_0, %dma_wait3A_38] : memref<10048x144xbf16, #tpu.memory_space<hbm>> -> memref<628x144xbf16, #tpu.memory_space<hbm>>
      tpu.wait_dma2 semaphore(%run_scoped3A : memref<!tpu.dma_semaphore, #tpu.memory_space<semaphore_mem>>) src(%dma_wait3A_39 : memref<628x144xbf16, #tpu.memory_space<hbm>>) dst(%dma_wait3A_37 : memref<628x144xbf16, #tpu.memory_space<vmem_shared>>)
      tpu.yield
    }) : () -> ()
    "tpu.region"() ({
      %run_scoped3A = tpu.sem_alloc : memref<!tpu.dma_semaphore, #tpu.memory_space<semaphore_mem>>
      tpu.enqueue_dma source(%arg4 : memref<128x144xbf16, #tpu.memory_space<hbm>>) target(%arg8 : memref<128x144xbf16, #tpu.memory_space<vmem>>) target_semaphore(%run_scoped3A : memref<!tpu.dma_semaphore, #tpu.memory_space<semaphore_mem>>)
      tpu.wait_dma2 semaphore(%run_scoped3A : memref<!tpu.dma_semaphore, #tpu.memory_space<semaphore_mem>>) src(%arg4 : memref<128x144xbf16, #tpu.memory_space<hbm>>) dst(%arg8 : memref<128x144xbf16, #tpu.memory_space<vmem>>)
      tpu.yield
    }) : () -> ()
    %mul3A_3 = arith.constant 640 : i32
    %mul3A_4 = arith.muli %arg1, %mul3A_3 : i32
    %add3A = arith.constant 0 : i32
    %add3A_5 = arith.addi %mul3A_4, %add3A : i32
    "tpu.region"() ({
      %run_scoped3A = tpu.sem_alloc : memref<!tpu.dma_semaphore, #tpu.memory_space<semaphore_mem>>
      %dma_start3A = arith.constant 0 : i32
      %dma_start3A_34 = tpu.memref_slice %arg10[%add3A_5, %dma_start3A] : memref<10240x144xbf16, #tpu.memory_space<vmem_shared>> -> memref<128x144xbf16, #tpu.memory_space<vmem_shared>>
      %dma_start3A_35 = arith.constant 0 : i32
      %dma_start3A_36 = tpu.memref_slice %arg10[%add3A_5, %dma_start3A_35] : memref<10240x144xbf16, #tpu.memory_space<vmem_shared>> -> memref<128x144xbf16, #tpu.memory_space<vmem_shared>>
      tpu.enqueue_dma source(%arg8 : memref<128x144xbf16, #tpu.memory_space<vmem>>) target(%dma_start3A_36 : memref<128x144xbf16, #tpu.memory_space<vmem_shared>>) target_semaphore(%run_scoped3A : memref<!tpu.dma_semaphore, #tpu.memory_space<semaphore_mem>>)
      %dma_wait3A = arith.constant 0 : i32
      %dma_wait3A_37 = tpu.memref_slice %arg10[%add3A_5, %dma_wait3A] : memref<10240x144xbf16, #tpu.memory_space<vmem_shared>> -> memref<128x144xbf16, #tpu.memory_space<vmem_shared>>
      %dma_wait3A_38 = arith.constant 0 : i32
      %dma_wait3A_39 = tpu.memref_slice %arg10[%add3A_5, %dma_wait3A_38] : memref<10240x144xbf16, #tpu.memory_space<vmem_shared>> -> memref<128x144xbf16, #tpu.memory_space<vmem_shared>>
      tpu.wait_dma2 semaphore(%run_scoped3A : memref<!tpu.dma_semaphore, #tpu.memory_space<semaphore_mem>>) src(%arg8 : memref<128x144xbf16, #tpu.memory_space<vmem>>) dst(%dma_wait3A_39 : memref<128x144xbf16, #tpu.memory_space<vmem_shared>>)
      tpu.yield
    }) : () -> ()
    %mul3A_6 = arith.constant 640 : i32
    %mul3A_7 = arith.muli %arg1, %mul3A_6 : i32
    %add3A_8 = arith.constant 128 : i32
    %add3A_9 = arith.addi %mul3A_7, %add3A_8 : i32
    "tpu.region"() ({
      %run_scoped3A = tpu.sem_alloc : memref<!tpu.dma_semaphore, #tpu.memory_space<semaphore_mem>>
      %dma_start3A = arith.constant 0 : i32
      %dma_start3A_34 = tpu.memref_slice %arg10[%add3A_9, %dma_start3A] : memref<10240x144xbf16, #tpu.memory_space<vmem_shared>> -> memref<128x144xbf16, #tpu.memory_space<vmem_shared>>
      %dma_start3A_35 = arith.constant 0 : i32
      %dma_start3A_36 = tpu.memref_slice %arg10[%add3A_9, %dma_start3A_35] : memref<10240x144xbf16, #tpu.memory_space<vmem_shared>> -> memref<128x144xbf16, #tpu.memory_space<vmem_shared>>
      tpu.enqueue_dma source(%arg8 : memref<128x144xbf16, #tpu.memory_space<vmem>>) target(%dma_start3A_36 : memref<128x144xbf16, #tpu.memory_space<vmem_shared>>) target_semaphore(%run_scoped3A : memref<!tpu.dma_semaphore, #tpu.memory_space<semaphore_mem>>)
      %dma_wait3A = arith.constant 0 : i32
      %dma_wait3A_37 = tpu.memref_slice %arg10[%add3A_9, %dma_wait3A] : memref<10240x144xbf16, #tpu.memory_space<vmem_shared>> -> memref<128x144xbf16, #tpu.memory_space<vmem_shared>>
      %dma_wait3A_38 = arith.constant 0 : i32
      %dma_wait3A_39 = tpu.memref_slice %arg10[%add3A_9, %dma_wait3A_38] : memref<10240x144xbf16, #tpu.memory_space<vmem_shared>> -> memref<128x144xbf16, #tpu.memory_space<vmem_shared>>
      tpu.wait_dma2 semaphore(%run_scoped3A : memref<!tpu.dma_semaphore, #tpu.memory_space<semaphore_mem>>) src(%arg8 : memref<128x144xbf16, #tpu.memory_space<vmem>>) dst(%dma_wait3A_39 : memref<128x144xbf16, #tpu.memory_space<vmem_shared>>)
      tpu.yield
    }) : () -> ()
    %mul3A_10 = arith.constant 640 : i32
    %mul3A_11 = arith.muli %arg1, %mul3A_10 : i32
    %add3A_12 = arith.constant 256 : i32
    %add3A_13 = arith.addi %mul3A_11, %add3A_12 : i32
    "tpu.region"() ({
      %run_scoped3A = tpu.sem_alloc : memref<!tpu.dma_semaphore, #tpu.memory_space<semaphore_mem>>
      %dma_start3A = arith.constant 0 : i32
      %dma_start3A_34 = tpu.memref_slice %arg10[%add3A_13, %dma_start3A] : memref<10240x144xbf16, #tpu.memory_space<vmem_shared>> -> memref<128x144xbf16, #tpu.memory_space<vmem_shared>>
      %dma_start3A_35 = arith.constant 0 : i32
      %dma_start3A_36 = tpu.memref_slice %arg10[%add3A_13, %dma_start3A_35] : memref<10240x144xbf16, #tpu.memory_space<vmem_shared>> -> memref<128x144xbf16, #tpu.memory_space<vmem_shared>>
      tpu.enqueue_dma source(%arg8 : memref<128x144xbf16, #tpu.memory_space<vmem>>) target(%dma_start3A_36 : memref<128x144xbf16, #tpu.memory_space<vmem_shared>>) target_semaphore(%run_scoped3A : memref<!tpu.dma_semaphore, #tpu.memory_space<semaphore_mem>>)
      %dma_wait3A = arith.constant 0 : i32
      %dma_wait3A_37 = tpu.memref_slice %arg10[%add3A_13, %dma_wait3A] : memref<10240x144xbf16, #tpu.memory_space<vmem_shared>> -> memref<128x144xbf16, #tpu.memory_space<vmem_shared>>
      %dma_wait3A_38 = arith.constant 0 : i32
      %dma_wait3A_39 = tpu.memref_slice %arg10[%add3A_13, %dma_wait3A_38] : memref<10240x144xbf16, #tpu.memory_space<vmem_shared>> -> memref<128x144xbf16, #tpu.memory_space<vmem_shared>>
      tpu.wait_dma2 semaphore(%run_scoped3A : memref<!tpu.dma_semaphore, #tpu.memory_space<semaphore_mem>>) src(%arg8 : memref<128x144xbf16, #tpu.memory_space<vmem>>) dst(%dma_wait3A_39 : memref<128x144xbf16, #tpu.memory_space<vmem_shared>>)
      tpu.yield
    }) : () -> ()
    %mul3A_14 = arith.constant 640 : i32
    %mul3A_15 = arith.muli %arg1, %mul3A_14 : i32
    %add3A_16 = arith.constant 384 : i32
    %add3A_17 = arith.addi %mul3A_15, %add3A_16 : i32
    "tpu.region"() ({
      %run_scoped3A = tpu.sem_alloc : memref<!tpu.dma_semaphore, #tpu.memory_space<semaphore_mem>>
      %dma_start3A = arith.constant 0 : i32
      %dma_start3A_34 = tpu.memref_slice %arg10[%add3A_17, %dma_start3A] : memref<10240x144xbf16, #tpu.memory_space<vmem_shared>> -> memref<128x144xbf16, #tpu.memory_space<vmem_shared>>
      %dma_start3A_35 = arith.constant 0 : i32
      %dma_start3A_36 = tpu.memref_slice %arg10[%add3A_17, %dma_start3A_35] : memref<10240x144xbf16, #tpu.memory_space<vmem_shared>> -> memref<128x144xbf16, #tpu.memory_space<vmem_shared>>
      tpu.enqueue_dma source(%arg8 : memref<128x144xbf16, #tpu.memory_space<vmem>>) target(%dma_start3A_36 : memref<128x144xbf16, #tpu.memory_space<vmem_shared>>) target_semaphore(%run_scoped3A : memref<!tpu.dma_semaphore, #tpu.memory_space<semaphore_mem>>)
      %dma_wait3A = arith.constant 0 : i32
      %dma_wait3A_37 = tpu.memref_slice %arg10[%add3A_17, %dma_wait3A] : memref<10240x144xbf16, #tpu.memory_space<vmem_shared>> -> memref<128x144xbf16, #tpu.memory_space<vmem_shared>>
      %dma_wait3A_38 = arith.constant 0 : i32
      %dma_wait3A_39 = tpu.memref_slice %arg10[%add3A_17, %dma_wait3A_38] : memref<10240x144xbf16, #tpu.memory_space<vmem_shared>> -> memref<128x144xbf16, #tpu.memory_space<vmem_shared>>
      tpu.wait_dma2 semaphore(%run_scoped3A : memref<!tpu.dma_semaphore, #tpu.memory_space<semaphore_mem>>) src(%arg8 : memref<128x144xbf16, #tpu.memory_space<vmem>>) dst(%dma_wait3A_39 : memref<128x144xbf16, #tpu.memory_space<vmem_shared>>)
      tpu.yield
    }) : () -> ()
    %mul3A_18 = arith.constant 640 : i32
    %mul3A_19 = arith.muli %arg1, %mul3A_18 : i32
    %add3A_20 = arith.constant 512 : i32
    %add3A_21 = arith.addi %mul3A_19, %add3A_20 : i32
    "tpu.region"() ({
      %run_scoped3A = tpu.sem_alloc : memref<!tpu.dma_semaphore, #tpu.memory_space<semaphore_mem>>
      %dma_start3A = arith.constant 0 : i32
      %dma_start3A_34 = tpu.memref_slice %arg10[%add3A_21, %dma_start3A] : memref<10240x144xbf16, #tpu.memory_space<vmem_shared>> -> memref<128x144xbf16, #tpu.memory_space<vmem_shared>>
      %dma_start3A_35 = arith.constant 0 : i32
      %dma_start3A_36 = tpu.memref_slice %arg10[%add3A_21, %dma_start3A_35] : memref<10240x144xbf16, #tpu.memory_space<vmem_shared>> -> memref<128x144xbf16, #tpu.memory_space<vmem_shared>>
      tpu.enqueue_dma source(%arg8 : memref<128x144xbf16, #tpu.memory_space<vmem>>) target(%dma_start3A_36 : memref<128x144xbf16, #tpu.memory_space<vmem_shared>>) target_semaphore(%run_scoped3A : memref<!tpu.dma_semaphore, #tpu.memory_space<semaphore_mem>>)
      %dma_wait3A = arith.constant 0 : i32
      %dma_wait3A_37 = tpu.memref_slice %arg10[%add3A_21, %dma_wait3A] : memref<10240x144xbf16, #tpu.memory_space<vmem_shared>> -> memref<128x144xbf16, #tpu.memory_space<vmem_shared>>
      %dma_wait3A_38 = arith.constant 0 : i32
      %dma_wait3A_39 = tpu.memref_slice %arg10[%add3A_21, %dma_wait3A_38] : memref<10240x144xbf16, #tpu.memory_space<vmem_shared>> -> memref<128x144xbf16, #tpu.memory_space<vmem_shared>>
      tpu.wait_dma2 semaphore(%run_scoped3A : memref<!tpu.dma_semaphore, #tpu.memory_space<semaphore_mem>>) src(%arg8 : memref<128x144xbf16, #tpu.memory_space<vmem>>) dst(%dma_wait3A_39 : memref<128x144xbf16, #tpu.memory_space<vmem_shared>>)
      tpu.yield
    }) : () -> ()
    %barrier3A = arith.constant 0 : index
    tpu.barrier barrier_id(%barrier3A)
    %eq3A = arith.constant 0 : i32
    %eq3A_22 = arith.cmpi eq, %arg0, %eq3A : i32
    %convert_element_type3A = arith.extui %eq3A_22 : i1 to i32
    %cond3A = arith.constant 0 : i32
    %cond3A_23 = arith.cmpi ne, %convert_element_type3A, %cond3A : i32
    scf.if %cond3A_23 {
      %mul3A_34 = arith.constant 92 : i32
      %mul3A_35 = arith.muli %arg1, %mul3A_34 : i32
      "tpu.region"() ({
        %run_scoped3A_68 = tpu.sem_alloc : memref<!tpu.dma_semaphore, #tpu.memory_space<semaphore_mem>>
        %dma_start3A_69 = arith.constant 0 : i32
        %dma_start3A_70 = arith.constant 0 : i32
        %dma_start3A_71 = tpu.memref_slice %arg3[%mul3A_35, %dma_start3A_69, %dma_start3A_70] : memref<2560x2x128xi32, #tpu.memory_space<hbm>> -> memref<1x2x128xi32, #tpu.memory_space<hbm>>
        %dma_start3A_72 = tpu.memref_squeeze %dma_start3A_71 : memref<1x2x128xi32, #tpu.memory_space<hbm>> -> memref<2x128xi32, #tpu.memory_space<hbm>>
        %dma_start3A_73 = arith.constant 0 : i32
        %dma_start3A_74 = arith.constant 0 : i32
        %dma_start3A_75 = tpu.memref_slice %arg3[%mul3A_35, %dma_start3A_73, %dma_start3A_74] : memref<2560x2x128xi32, #tpu.memory_space<hbm>> -> memref<1x2x128xi32, #tpu.memory_space<hbm>>
        %dma_start3A_76 = tpu.memref_squeeze %dma_start3A_75 : memref<1x2x128xi32, #tpu.memory_space<hbm>> -> memref<2x128xi32, #tpu.memory_space<hbm>>
        tpu.enqueue_dma source(%dma_start3A_76 : memref<2x128xi32, #tpu.memory_space<hbm>>) target(%arg6 : memref<2x128xi32, #tpu.memory_space<vmem>>) target_semaphore(%run_scoped3A_68 : memref<!tpu.dma_semaphore, #tpu.memory_space<semaphore_mem>>)
        %dma_wait3A_77 = arith.constant 0 : i32
        %dma_wait3A_78 = arith.constant 0 : i32
        %dma_wait3A_79 = tpu.memref_slice %arg3[%mul3A_35, %dma_wait3A_77, %dma_wait3A_78] : memref<2560x2x128xi32, #tpu.memory_space<hbm>> -> memref<1x2x128xi32, #tpu.memory_space<hbm>>
        %dma_wait3A_80 = tpu.memref_squeeze %dma_wait3A_79 : memref<1x2x128xi32, #tpu.memory_space<hbm>> -> memref<2x128xi32, #tpu.memory_space<hbm>>
        %dma_wait3A_81 = arith.constant 0 : i32
        %dma_wait3A_82 = arith.constant 0 : i32
        %dma_wait3A_83 = tpu.memref_slice %arg3[%mul3A_35, %dma_wait3A_81, %dma_wait3A_82] : memref<2560x2x128xi32, #tpu.memory_space<hbm>> -> memref<1x2x128xi32, #tpu.memory_space<hbm>>
        %dma_wait3A_84 = tpu.memref_squeeze %dma_wait3A_83 : memref<1x2x128xi32, #tpu.memory_space<hbm>> -> memref<2x128xi32, #tpu.memory_space<hbm>>
        tpu.wait_dma2 semaphore(%run_scoped3A_68 : memref<!tpu.dma_semaphore, #tpu.memory_space<semaphore_mem>>) src(%dma_wait3A_84 : memref<2x128xi32, #tpu.memory_space<hbm>>) dst(%arg6 : memref<2x128xi32, #tpu.memory_space<vmem>>)
        tpu.yield
      }) : () -> ()
      %dma_start3A = arith.constant 0 : i32
      %dma_start3A_36 = arith.constant 0 : i32
      %dma_start3A_37 = tpu.memref_slice %arg6[%dma_start3A, %dma_start3A_36] : memref<2x128xi32, #tpu.memory_space<vmem>> -> memref<1x128xi32, #tpu.memory_space<vmem>>
      %dma_start3A_38 = tpu.memref_squeeze %dma_start3A_37 : memref<1x128xi32, #tpu.memory_space<vmem>> -> memref<128xi32, #tpu.memory_space<vmem>>
      %dma_start3A_39 = arith.constant 0 : i32
      %dma_start3A_40 = arith.constant 0 : i32
      %dma_start3A_41 = tpu.memref_slice %arg2[%dma_start3A_39, %dma_start3A_40] : memref<10048x144xbf16, #tpu.memory_space<hbm>> -> memref<10048x144xbf16, #tpu.memory_space<hbm>>
      tpu.enqueue_indirect_dma source(%dma_start3A_41 : memref<10048x144xbf16, #tpu.memory_space<hbm>>) target(%arg8 : memref<128x144xbf16, #tpu.memory_space<vmem>>) offsets(%dma_start3A_38 : memref<128xi32, #tpu.memory_space<vmem>>) semaphore(%arg12 : memref<!tpu.dma_semaphore, #tpu.memory_space<semaphore_mem>>)
      %add3A_42 = arith.constant 1 : i32
      %add3A_43 = arith.addi %mul3A_35, %add3A_42 : i32
      "tpu.region"() ({
        %run_scoped3A_68 = tpu.sem_alloc : memref<!tpu.dma_semaphore, #tpu.memory_space<semaphore_mem>>
        %dma_start3A_69 = arith.constant 0 : i32
        %dma_start3A_70 = arith.constant 0 : i32
        %dma_start3A_71 = tpu.memref_slice %arg3[%add3A_43, %dma_start3A_69, %dma_start3A_70] : memref<2560x2x128xi32, #tpu.memory_space<hbm>> -> memref<1x2x128xi32, #tpu.memory_space<hbm>>
        %dma_start3A_72 = tpu.memref_squeeze %dma_start3A_71 : memref<1x2x128xi32, #tpu.memory_space<hbm>> -> memref<2x128xi32, #tpu.memory_space<hbm>>
        %dma_start3A_73 = arith.constant 0 : i32
        %dma_start3A_74 = arith.constant 0 : i32
        %dma_start3A_75 = tpu.memref_slice %arg3[%add3A_43, %dma_start3A_73, %dma_start3A_74] : memref<2560x2x128xi32, #tpu.memory_space<hbm>> -> memref<1x2x128xi32, #tpu.memory_space<hbm>>
        %dma_start3A_76 = tpu.memref_squeeze %dma_start3A_75 : memref<1x2x128xi32, #tpu.memory_space<hbm>> -> memref<2x128xi32, #tpu.memory_space<hbm>>
        tpu.enqueue_dma source(%dma_start3A_76 : memref<2x128xi32, #tpu.memory_space<hbm>>) target(%arg7 : memref<2x128xi32, #tpu.memory_space<vmem>>) target_semaphore(%run_scoped3A_68 : memref<!tpu.dma_semaphore, #tpu.memory_space<semaphore_mem>>)
        %dma_wait3A_77 = arith.constant 0 : i32
        %dma_wait3A_78 = arith.constant 0 : i32
        %dma_wait3A_79 = tpu.memref_slice %arg3[%add3A_43, %dma_wait3A_77, %dma_wait3A_78] : memref<2560x2x128xi32, #tpu.memory_space<hbm>> -> memref<1x2x128xi32, #tpu.memory_space<hbm>>
        %dma_wait3A_80 = tpu.memref_squeeze %dma_wait3A_79 : memref<1x2x128xi32, #tpu.memory_space<hbm>> -> memref<2x128xi32, #tpu.memory_space<hbm>>
        %dma_wait3A_81 = arith.constant 0 : i32
        %dma_wait3A_82 = arith.constant 0 : i32
        %dma_wait3A_83 = tpu.memref_slice %arg3[%add3A_43, %dma_wait3A_81, %dma_wait3A_82] : memref<2560x2x128xi32, #tpu.memory_space<hbm>> -> memref<1x2x128xi32, #tpu.memory_space<hbm>>
        %dma_wait3A_84 = tpu.memref_squeeze %dma_wait3A_83 : memref<1x2x128xi32, #tpu.memory_space<hbm>> -> memref<2x128xi32, #tpu.memory_space<hbm>>
        tpu.wait_dma2 semaphore(%run_scoped3A_68 : memref<!tpu.dma_semaphore, #tpu.memory_space<semaphore_mem>>) src(%dma_wait3A_84 : memref<2x128xi32, #tpu.memory_space<hbm>>) dst(%arg7 : memref<2x128xi32, #tpu.memory_space<vmem>>)
        tpu.yield
      }) : () -> ()
      %dma_start3A_44 = arith.constant 0 : i32
      %dma_start3A_45 = arith.constant 0 : i32
      %dma_start3A_46 = tpu.memref_slice %arg7[%dma_start3A_44, %dma_start3A_45] : memref<2x128xi32, #tpu.memory_space<vmem>> -> memref<1x128xi32, #tpu.memory_space<vmem>>
      %dma_start3A_47 = tpu.memref_squeeze %dma_start3A_46 : memref<1x128xi32, #tpu.memory_space<vmem>> -> memref<128xi32, #tpu.memory_space<vmem>>
      %dma_start3A_48 = arith.constant 0 : i32
      %dma_start3A_49 = arith.constant 0 : i32
      %dma_start3A_50 = tpu.memref_slice %arg11[%dma_start3A_48, %dma_start3A_49] : memref<10048x144xbf16, #tpu.memory_space<vmem_shared>> -> memref<10048x144xbf16, #tpu.memory_space<vmem_shared>>
      tpu.enqueue_indirect_dma source(%dma_start3A_50 : memref<10048x144xbf16, #tpu.memory_space<vmem_shared>>) target(%arg9 : memref<128x144xbf16, #tpu.memory_space<vmem>>) offsets(%dma_start3A_47 : memref<128xi32, #tpu.memory_space<vmem>>) semaphore(%arg13 : memref<!tpu.dma_semaphore, #tpu.memory_space<semaphore_mem>>)
      %scan3A = arith.constant 0 : i32
      %scan3A_51 = arith.constant 0 : i32
      %scan3A_52 = arith.constant 45 : i32
      %scan3A_53 = arith.addi %scan3A_51, %scan3A_52 : i32
      %scan3A_54 = arith.constant 1 : i32
      scf.for %scan3A_68 = %scan3A_51 to %scan3A_53 step %scan3A_54  : i32 {
        %mul3A_69 = arith.constant 2 : i32
        %mul3A_70 = arith.muli %mul3A_69, %scan3A_68 : i32
        %add3A_71 = arith.addi %mul3A_35, %mul3A_70 : i32
        %dma_wait3A_72 = arith.constant 0 : i32
        %dma_wait3A_73 = arith.constant 0 : i32
        %dma_wait3A_74 = tpu.memref_slice %arg2[%dma_wait3A_72, %dma_wait3A_73] : memref<10048x144xbf16, #tpu.memory_space<hbm>> -> memref<128x144xbf16, #tpu.memory_space<hbm>>
        %dma_wait3A_75 = arith.constant 0 : i32
        %dma_wait3A_76 = arith.constant 0 : i32
        %dma_wait3A_77 = tpu.memref_slice %arg2[%dma_wait3A_75, %dma_wait3A_76] : memref<10048x144xbf16, #tpu.memory_space<hbm>> -> memref<128x144xbf16, #tpu.memory_space<hbm>>
        tpu.wait_dma2 semaphore(%arg12 : memref<!tpu.dma_semaphore, #tpu.memory_space<semaphore_mem>>) src(%dma_wait3A_77 : memref<128x144xbf16, #tpu.memory_space<hbm>>) dst(%arg8 : memref<128x144xbf16, #tpu.memory_space<vmem>>)
        %run_scoped3A_78 = arith.constant 1 : i32
        "tpu.region"() ({
          %run_scoped3A_104 = tpu.sem_alloc : memref<!tpu.dma_semaphore, #tpu.memory_space<semaphore_mem>>
          %dma_start3A_105 = arith.constant 0 : i32
          %dma_start3A_106 = tpu.memref_slice %arg6[%run_scoped3A_78, %dma_start3A_105] : memref<2x128xi32, #tpu.memory_space<vmem>> -> memref<1x128xi32, #tpu.memory_space<vmem>>
          %dma_start3A_107 = tpu.memref_squeeze %dma_start3A_106 : memref<1x128xi32, #tpu.memory_space<vmem>> -> memref<128xi32, #tpu.memory_space<vmem>>
          %dma_start3A_108 = arith.constant 0 : i32
          %dma_start3A_109 = arith.constant 0 : i32
          %dma_start3A_110 = tpu.memref_slice %arg10[%dma_start3A_108, %dma_start3A_109] : memref<10240x144xbf16, #tpu.memory_space<vmem_shared>> -> memref<10240x144xbf16, #tpu.memory_space<vmem_shared>>
          tpu.enqueue_indirect_dma source(%arg8 : memref<128x144xbf16, #tpu.memory_space<vmem>>) target(%dma_start3A_110 : memref<10240x144xbf16, #tpu.memory_space<vmem_shared>>) offsets(%dma_start3A_107 : memref<128xi32, #tpu.memory_space<vmem>>) semaphore(%run_scoped3A_104 : memref<!tpu.dma_semaphore, #tpu.memory_space<semaphore_mem>>) {add = true}
          %dma_wait3A_111 = arith.constant 0 : i32
          %dma_wait3A_112 = tpu.memref_slice %arg6[%run_scoped3A_78, %dma_wait3A_111] : memref<2x128xi32, #tpu.memory_space<vmem>> -> memref<1x128xi32, #tpu.memory_space<vmem>>
          %dma_wait3A_113 = tpu.memref_squeeze %dma_wait3A_112 : memref<1x128xi32, #tpu.memory_space<vmem>> -> memref<128xi32, #tpu.memory_space<vmem>>
          %dma_wait3A_114 = arith.constant 0 : i32
          %dma_wait3A_115 = arith.constant 0 : i32
          %dma_wait3A_116 = tpu.memref_slice %arg10[%dma_wait3A_114, %dma_wait3A_115] : memref<10240x144xbf16, #tpu.memory_space<vmem_shared>> -> memref<10240x144xbf16, #tpu.memory_space<vmem_shared>>
          tpu.wait_indirect_dma semaphore(%run_scoped3A_104 : memref<!tpu.dma_semaphore, #tpu.memory_space<semaphore_mem>>) src(%arg8 : memref<128x144xbf16, #tpu.memory_space<vmem>>) dst(%dma_wait3A_116 : memref<10240x144xbf16, #tpu.memory_space<vmem_shared>>)
          tpu.yield
        }) : () -> ()
        %add3A_79 = arith.constant 2 : i32
        %add3A_80 = arith.addi %add3A_71, %add3A_79 : i32
        "tpu.region"() ({
          %run_scoped3A_104 = tpu.sem_alloc : memref<!tpu.dma_semaphore, #tpu.memory_space<semaphore_mem>>
          %dma_start3A_105 = arith.constant 0 : i32
          %dma_start3A_106 = arith.constant 0 : i32
          %dma_start3A_107 = tpu.memref_slice %arg3[%add3A_80, %dma_start3A_105, %dma_start3A_106] : memref<2560x2x128xi32, #tpu.memory_space<hbm>> -> memref<1x2x128xi32, #tpu.memory_space<hbm>>
          %dma_start3A_108 = tpu.memref_squeeze %dma_start3A_107 : memref<1x2x128xi32, #tpu.memory_space<hbm>> -> memref<2x128xi32, #tpu.memory_space<hbm>>
          %dma_start3A_109 = arith.constant 0 : i32
          %dma_start3A_110 = arith.constant 0 : i32
          %dma_start3A_111 = tpu.memref_slice %arg3[%add3A_80, %dma_start3A_109, %dma_start3A_110] : memref<2560x2x128xi32, #tpu.memory_space<hbm>> -> memref<1x2x128xi32, #tpu.memory_space<hbm>>
          %dma_start3A_112 = tpu.memref_squeeze %dma_start3A_111 : memref<1x2x128xi32, #tpu.memory_space<hbm>> -> memref<2x128xi32, #tpu.memory_space<hbm>>
          tpu.enqueue_dma source(%dma_start3A_112 : memref<2x128xi32, #tpu.memory_space<hbm>>) target(%arg6 : memref<2x128xi32, #tpu.memory_space<vmem>>) target_semaphore(%run_scoped3A_104 : memref<!tpu.dma_semaphore, #tpu.memory_space<semaphore_mem>>)
          %dma_wait3A_113 = arith.constant 0 : i32
          %dma_wait3A_114 = arith.constant 0 : i32
          %dma_wait3A_115 = tpu.memref_slice %arg3[%add3A_80, %dma_wait3A_113, %dma_wait3A_114] : memref<2560x2x128xi32, #tpu.memory_space<hbm>> -> memref<1x2x128xi32, #tpu.memory_space<hbm>>
          %dma_wait3A_116 = tpu.memref_squeeze %dma_wait3A_115 : memref<1x2x128xi32, #tpu.memory_space<hbm>> -> memref<2x128xi32, #tpu.memory_space<hbm>>
          %dma_wait3A_117 = arith.constant 0 : i32
          %dma_wait3A_118 = arith.constant 0 : i32
          %dma_wait3A_119 = tpu.memref_slice %arg3[%add3A_80, %dma_wait3A_117, %dma_wait3A_118] : memref<2560x2x128xi32, #tpu.memory_space<hbm>> -> memref<1x2x128xi32, #tpu.memory_space<hbm>>
          %dma_wait3A_120 = tpu.memref_squeeze %dma_wait3A_119 : memref<1x2x128xi32, #tpu.memory_space<hbm>> -> memref<2x128xi32, #tpu.memory_space<hbm>>
          tpu.wait_dma2 semaphore(%run_scoped3A_104 : memref<!tpu.dma_semaphore, #tpu.memory_space<semaphore_mem>>) src(%dma_wait3A_120 : memref<2x128xi32, #tpu.memory_space<hbm>>) dst(%arg6 : memref<2x128xi32, #tpu.memory_space<vmem>>)
          tpu.yield
        }) : () -> ()
        %dma_start3A_81 = arith.constant 0 : i32
        %dma_start3A_82 = arith.constant 0 : i32
        %dma_start3A_83 = tpu.memref_slice %arg6[%dma_start3A_81, %dma_start3A_82] : memref<2x128xi32, #tpu.memory_space<vmem>> -> memref<1x128xi32, #tpu.memory_space<vmem>>
        %dma_start3A_84 = tpu.memref_squeeze %dma_start3A_83 : memref<1x128xi32, #tpu.memory_space<vmem>> -> memref<128xi32, #tpu.memory_space<vmem>>
        %dma_start3A_85 = arith.constant 0 : i32
        %dma_start3A_86 = arith.constant 0 : i32
        %dma_start3A_87 = tpu.memref_slice %arg2[%dma_start3A_85, %dma_start3A_86] : memref<10048x144xbf16, #tpu.memory_space<hbm>> -> memref<10048x144xbf16, #tpu.memory_space<hbm>>
        tpu.enqueue_indirect_dma source(%dma_start3A_87 : memref<10048x144xbf16, #tpu.memory_space<hbm>>) target(%arg8 : memref<128x144xbf16, #tpu.memory_space<vmem>>) offsets(%dma_start3A_84 : memref<128xi32, #tpu.memory_space<vmem>>) semaphore(%arg12 : memref<!tpu.dma_semaphore, #tpu.memory_space<semaphore_mem>>)
        %dma_wait3A_88 = arith.constant 0 : i32
        %dma_wait3A_89 = arith.constant 0 : i32
        %dma_wait3A_90 = tpu.memref_slice %arg2[%dma_wait3A_88, %dma_wait3A_89] : memref<10048x144xbf16, #tpu.memory_space<hbm>> -> memref<128x144xbf16, #tpu.memory_space<hbm>>
        %dma_wait3A_91 = arith.constant 0 : i32
        %dma_wait3A_92 = arith.constant 0 : i32
        %dma_wait3A_93 = tpu.memref_slice %arg2[%dma_wait3A_91, %dma_wait3A_92] : memref<10048x144xbf16, #tpu.memory_space<hbm>> -> memref<128x144xbf16, #tpu.memory_space<hbm>>
        tpu.wait_dma2 semaphore(%arg13 : memref<!tpu.dma_semaphore, #tpu.memory_space<semaphore_mem>>) src(%dma_wait3A_93 : memref<128x144xbf16, #tpu.memory_space<hbm>>) dst(%arg9 : memref<128x144xbf16, #tpu.memory_space<vmem>>)
        %run_scoped3A_94 = arith.constant 1 : i32
        "tpu.region"() ({
          %run_scoped3A_104 = tpu.sem_alloc : memref<!tpu.dma_semaphore, #tpu.memory_space<semaphore_mem>>
          %dma_start3A_105 = arith.constant 0 : i32
          %dma_start3A_106 = tpu.memref_slice %arg7[%run_scoped3A_94, %dma_start3A_105] : memref<2x128xi32, #tpu.memory_space<vmem>> -> memref<1x128xi32, #tpu.memory_space<vmem>>
          %dma_start3A_107 = tpu.memref_squeeze %dma_start3A_106 : memref<1x128xi32, #tpu.memory_space<vmem>> -> memref<128xi32, #tpu.memory_space<vmem>>
          %dma_start3A_108 = arith.constant 0 : i32
          %dma_start3A_109 = arith.constant 0 : i32
          %dma_start3A_110 = tpu.memref_slice %arg10[%dma_start3A_108, %dma_start3A_109] : memref<10240x144xbf16, #tpu.memory_space<vmem_shared>> -> memref<10240x144xbf16, #tpu.memory_space<vmem_shared>>
          tpu.enqueue_indirect_dma source(%arg9 : memref<128x144xbf16, #tpu.memory_space<vmem>>) target(%dma_start3A_110 : memref<10240x144xbf16, #tpu.memory_space<vmem_shared>>) offsets(%dma_start3A_107 : memref<128xi32, #tpu.memory_space<vmem>>) semaphore(%run_scoped3A_104 : memref<!tpu.dma_semaphore, #tpu.memory_space<semaphore_mem>>) {add = true}
          %dma_wait3A_111 = arith.constant 0 : i32
          %dma_wait3A_112 = tpu.memref_slice %arg7[%run_scoped3A_94, %dma_wait3A_111] : memref<2x128xi32, #tpu.memory_space<vmem>> -> memref<1x128xi32, #tpu.memory_space<vmem>>
          %dma_wait3A_113 = tpu.memref_squeeze %dma_wait3A_112 : memref<1x128xi32, #tpu.memory_space<vmem>> -> memref<128xi32, #tpu.memory_space<vmem>>
          %dma_wait3A_114 = arith.constant 0 : i32
          %dma_wait3A_115 = arith.constant 0 : i32
          %dma_wait3A_116 = tpu.memref_slice %arg10[%dma_wait3A_114, %dma_wait3A_115] : memref<10240x144xbf16, #tpu.memory_space<vmem_shared>> -> memref<10240x144xbf16, #tpu.memory_space<vmem_shared>>
          tpu.wait_indirect_dma semaphore(%run_scoped3A_104 : memref<!tpu.dma_semaphore, #tpu.memory_space<semaphore_mem>>) src(%arg9 : memref<128x144xbf16, #tpu.memory_space<vmem>>) dst(%dma_wait3A_116 : memref<10240x144xbf16, #tpu.memory_space<vmem_shared>>)
          tpu.yield
        }) : () -> ()
        %add3A_95 = arith.constant 3 : i32
        %add3A_96 = arith.addi %add3A_71, %add3A_95 : i32
        "tpu.region"() ({
          %run_scoped3A_104 = tpu.sem_alloc : memref<!tpu.dma_semaphore, #tpu.memory_space<semaphore_mem>>
          %dma_start3A_105 = arith.constant 0 : i32
          %dma_start3A_106 = arith.constant 0 : i32
          %dma_start3A_107 = tpu.memref_slice %arg3[%add3A_96, %dma_start3A_105, %dma_start3A_106] : memref<2560x2x128xi32, #tpu.memory_space<hbm>> -> memref<1x2x128xi32, #tpu.memory_space<hbm>>
          %dma_start3A_108 = tpu.memref_squeeze %dma_start3A_107 : memref<1x2x128xi32, #tpu.memory_space<hbm>> -> memref<2x128xi32, #tpu.memory_space<hbm>>
          %dma_start3A_109 = arith.constant 0 : i32
          %dma_start3A_110 = arith.constant 0 : i32
          %dma_start3A_111 = tpu.memref_slice %arg3[%add3A_96, %dma_start3A_109, %dma_start3A_110] : memref<2560x2x128xi32, #tpu.memory_space<hbm>> -> memref<1x2x128xi32, #tpu.memory_space<hbm>>
          %dma_start3A_112 = tpu.memref_squeeze %dma_start3A_111 : memref<1x2x128xi32, #tpu.memory_space<hbm>> -> memref<2x128xi32, #tpu.memory_space<hbm>>
          tpu.enqueue_dma source(%dma_start3A_112 : memref<2x128xi32, #tpu.memory_space<hbm>>) target(%arg7 : memref<2x128xi32, #tpu.memory_space<vmem>>) target_semaphore(%run_scoped3A_104 : memref<!tpu.dma_semaphore, #tpu.memory_space<semaphore_mem>>)
          %dma_wait3A_113 = arith.constant 0 : i32
          %dma_wait3A_114 = arith.constant 0 : i32
          %dma_wait3A_115 = tpu.memref_slice %arg3[%add3A_96, %dma_wait3A_113, %dma_wait3A_114] : memref<2560x2x128xi32, #tpu.memory_space<hbm>> -> memref<1x2x128xi32, #tpu.memory_space<hbm>>
          %dma_wait3A_116 = tpu.memref_squeeze %dma_wait3A_115 : memref<1x2x128xi32, #tpu.memory_space<hbm>> -> memref<2x128xi32, #tpu.memory_space<hbm>>
          %dma_wait3A_117 = arith.constant 0 : i32
          %dma_wait3A_118 = arith.constant 0 : i32
          %dma_wait3A_119 = tpu.memref_slice %arg3[%add3A_96, %dma_wait3A_117, %dma_wait3A_118] : memref<2560x2x128xi32, #tpu.memory_space<hbm>> -> memref<1x2x128xi32, #tpu.memory_space<hbm>>
          %dma_wait3A_120 = tpu.memref_squeeze %dma_wait3A_119 : memref<1x2x128xi32, #tpu.memory_space<hbm>> -> memref<2x128xi32, #tpu.memory_space<hbm>>
          tpu.wait_dma2 semaphore(%run_scoped3A_104 : memref<!tpu.dma_semaphore, #tpu.memory_space<semaphore_mem>>) src(%dma_wait3A_120 : memref<2x128xi32, #tpu.memory_space<hbm>>) dst(%arg7 : memref<2x128xi32, #tpu.memory_space<vmem>>)
          tpu.yield
        }) : () -> ()
        %dma_start3A_97 = arith.constant 0 : i32
        %dma_start3A_98 = arith.constant 0 : i32
        %dma_start3A_99 = tpu.memref_slice %arg7[%dma_start3A_97, %dma_start3A_98] : memref<2x128xi32, #tpu.memory_space<vmem>> -> memref<1x128xi32, #tpu.memory_space<vmem>>
        %dma_start3A_100 = tpu.memref_squeeze %dma_start3A_99 : memref<1x128xi32, #tpu.memory_space<vmem>> -> memref<128xi32, #tpu.memory_space<vmem>>
        %dma_start3A_101 = arith.constant 0 : i32
        %dma_start3A_102 = arith.constant 0 : i32
        %dma_start3A_103 = tpu.memref_slice %arg11[%dma_start3A_101, %dma_start3A_102] : memref<10048x144xbf16, #tpu.memory_space<vmem_shared>> -> memref<10048x144xbf16, #tpu.memory_space<vmem_shared>>
        tpu.enqueue_indirect_dma source(%dma_start3A_103 : memref<10048x144xbf16, #tpu.memory_space<vmem_shared>>) target(%arg9 : memref<128x144xbf16, #tpu.memory_space<vmem>>) offsets(%dma_start3A_100 : memref<128xi32, #tpu.memory_space<vmem>>) semaphore(%arg13 : memref<!tpu.dma_semaphore, #tpu.memory_space<semaphore_mem>>)
      }
      %scan3A_55 = arith.constant 45 : i32
      %dma_wait3A = arith.constant 0 : i32
      %dma_wait3A_56 = arith.constant 0 : i32
      %dma_wait3A_57 = tpu.memref_slice %arg2[%dma_wait3A, %dma_wait3A_56] : memref<10048x144xbf16, #tpu.memory_space<hbm>> -> memref<128x144xbf16, #tpu.memory_space<hbm>>
      %dma_wait3A_58 = arith.constant 0 : i32
      %dma_wait3A_59 = arith.constant 0 : i32
      %dma_wait3A_60 = tpu.memref_slice %arg2[%dma_wait3A_58, %dma_wait3A_59] : memref<10048x144xbf16, #tpu.memory_space<hbm>> -> memref<128x144xbf16, #tpu.memory_space<hbm>>
      tpu.wait_dma2 semaphore(%arg12 : memref<!tpu.dma_semaphore, #tpu.memory_space<semaphore_mem>>) src(%dma_wait3A_60 : memref<128x144xbf16, #tpu.memory_space<hbm>>) dst(%arg8 : memref<128x144xbf16, #tpu.memory_space<vmem>>)
      %run_scoped3A = arith.constant 1 : i32
      "tpu.region"() ({
        %run_scoped3A_68 = tpu.sem_alloc : memref<!tpu.dma_semaphore, #tpu.memory_space<semaphore_mem>>
        %dma_start3A_69 = arith.constant 0 : i32
        %dma_start3A_70 = tpu.memref_slice %arg6[%run_scoped3A, %dma_start3A_69] : memref<2x128xi32, #tpu.memory_space<vmem>> -> memref<1x128xi32, #tpu.memory_space<vmem>>
        %dma_start3A_71 = tpu.memref_squeeze %dma_start3A_70 : memref<1x128xi32, #tpu.memory_space<vmem>> -> memref<128xi32, #tpu.memory_space<vmem>>
        %dma_start3A_72 = arith.constant 0 : i32
        %dma_start3A_73 = arith.constant 0 : i32
        %dma_start3A_74 = tpu.memref_slice %arg10[%dma_start3A_72, %dma_start3A_73] : memref<10240x144xbf16, #tpu.memory_space<vmem_shared>> -> memref<10240x144xbf16, #tpu.memory_space<vmem_shared>>
        tpu.enqueue_indirect_dma source(%arg8 : memref<128x144xbf16, #tpu.memory_space<vmem>>) target(%dma_start3A_74 : memref<10240x144xbf16, #tpu.memory_space<vmem_shared>>) offsets(%dma_start3A_71 : memref<128xi32, #tpu.memory_space<vmem>>) semaphore(%run_scoped3A_68 : memref<!tpu.dma_semaphore, #tpu.memory_space<semaphore_mem>>) {add = true}
        %dma_wait3A_75 = arith.constant 0 : i32
        %dma_wait3A_76 = tpu.memref_slice %arg6[%run_scoped3A, %dma_wait3A_75] : memref<2x128xi32, #tpu.memory_space<vmem>> -> memref<1x128xi32, #tpu.memory_space<vmem>>
        %dma_wait3A_77 = tpu.memref_squeeze %dma_wait3A_76 : memref<1x128xi32, #tpu.memory_space<vmem>> -> memref<128xi32, #tpu.memory_space<vmem>>
        %dma_wait3A_78 = arith.constant 0 : i32
        %dma_wait3A_79 = arith.constant 0 : i32
        %dma_wait3A_80 = tpu.memref_slice %arg10[%dma_wait3A_78, %dma_wait3A_79] : memref<10240x144xbf16, #tpu.memory_space<vmem_shared>> -> memref<10240x144xbf16, #tpu.memory_space<vmem_shared>>
        tpu.wait_indirect_dma semaphore(%run_scoped3A_68 : memref<!tpu.dma_semaphore, #tpu.memory_space<semaphore_mem>>) src(%arg8 : memref<128x144xbf16, #tpu.memory_space<vmem>>) dst(%dma_wait3A_80 : memref<10240x144xbf16, #tpu.memory_space<vmem_shared>>)
        tpu.yield
      }) : () -> ()
      %dma_wait3A_61 = arith.constant 0 : i32
      %dma_wait3A_62 = arith.constant 0 : i32
      %dma_wait3A_63 = tpu.memref_slice %arg2[%dma_wait3A_61, %dma_wait3A_62] : memref<10048x144xbf16, #tpu.memory_space<hbm>> -> memref<128x144xbf16, #tpu.memory_space<hbm>>
      %dma_wait3A_64 = arith.constant 0 : i32
      %dma_wait3A_65 = arith.constant 0 : i32
      %dma_wait3A_66 = tpu.memref_slice %arg2[%dma_wait3A_64, %dma_wait3A_65] : memref<10048x144xbf16, #tpu.memory_space<hbm>> -> memref<128x144xbf16, #tpu.memory_space<hbm>>
      tpu.wait_dma2 semaphore(%arg13 : memref<!tpu.dma_semaphore, #tpu.memory_space<semaphore_mem>>) src(%dma_wait3A_66 : memref<128x144xbf16, #tpu.memory_space<hbm>>) dst(%arg9 : memref<128x144xbf16, #tpu.memory_space<vmem>>)
      %run_scoped3A_67 = arith.constant 1 : i32
      "tpu.region"() ({
        %run_scoped3A_68 = tpu.sem_alloc : memref<!tpu.dma_semaphore, #tpu.memory_space<semaphore_mem>>
        %dma_start3A_69 = arith.constant 0 : i32
        %dma_start3A_70 = tpu.memref_slice %arg7[%run_scoped3A_67, %dma_start3A_69] : memref<2x128xi32, #tpu.memory_space<vmem>> -> memref<1x128xi32, #tpu.memory_space<vmem>>
        %dma_start3A_71 = tpu.memref_squeeze %dma_start3A_70 : memref<1x128xi32, #tpu.memory_space<vmem>> -> memref<128xi32, #tpu.memory_space<vmem>>
        %dma_start3A_72 = arith.constant 0 : i32
        %dma_start3A_73 = arith.constant 0 : i32
        %dma_start3A_74 = tpu.memref_slice %arg10[%dma_start3A_72, %dma_start3A_73] : memref<10240x144xbf16, #tpu.memory_space<vmem_shared>> -> memref<10240x144xbf16, #tpu.memory_space<vmem_shared>>
        tpu.enqueue_indirect_dma source(%arg9 : memref<128x144xbf16, #tpu.memory_space<vmem>>) target(%dma_start3A_74 : memref<10240x144xbf16, #tpu.memory_space<vmem_shared>>) offsets(%dma_start3A_71 : memref<128xi32, #tpu.memory_space<vmem>>) semaphore(%run_scoped3A_68 : memref<!tpu.dma_semaphore, #tpu.memory_space<semaphore_mem>>) {add = true}
        %dma_wait3A_75 = arith.constant 0 : i32
        %dma_wait3A_76 = tpu.memref_slice %arg7[%run_scoped3A_67, %dma_wait3A_75] : memref<2x128xi32, #tpu.memory_space<vmem>> -> memref<1x128xi32, #tpu.memory_space<vmem>>
        %dma_wait3A_77 = tpu.memref_squeeze %dma_wait3A_76 : memref<1x128xi32, #tpu.memory_space<vmem>> -> memref<128xi32, #tpu.memory_space<vmem>>
        %dma_wait3A_78 = arith.constant 0 : i32
        %dma_wait3A_79 = arith.constant 0 : i32
        %dma_wait3A_80 = tpu.memref_slice %arg10[%dma_wait3A_78, %dma_wait3A_79] : memref<10240x144xbf16, #tpu.memory_space<vmem_shared>> -> memref<10240x144xbf16, #tpu.memory_space<vmem_shared>>
        tpu.wait_indirect_dma semaphore(%run_scoped3A_68 : memref<!tpu.dma_semaphore, #tpu.memory_space<semaphore_mem>>) src(%arg9 : memref<128x144xbf16, #tpu.memory_space<vmem>>) dst(%dma_wait3A_80 : memref<10240x144xbf16, #tpu.memory_space<vmem_shared>>)
        tpu.yield
      }) : () -> ()
    } else {
    }
    %eq3A_24 = arith.constant 1 : i32
    %eq3A_25 = arith.cmpi eq, %arg0, %eq3A_24 : i32
    %convert_element_type3A_26 = arith.extui %eq3A_25 : i1 to i32
    %cond3A_27 = arith.constant 0 : i32
    %cond3A_28 = arith.cmpi ne, %convert_element_type3A_26, %cond3A_27 : i32
    scf.if %cond3A_28 {
      %mul3A_34 = arith.constant 68 : i32
      %mul3A_35 = arith.muli %arg1, %mul3A_34 : i32
      %add3A_36 = arith.constant 1472 : i32
      %add3A_37 = arith.addi %add3A_36, %mul3A_35 : i32
      "tpu.region"() ({
        %run_scoped3A_70 = tpu.sem_alloc : memref<!tpu.dma_semaphore, #tpu.memory_space<semaphore_mem>>
        %dma_start3A_71 = arith.constant 0 : i32
        %dma_start3A_72 = arith.constant 0 : i32
        %dma_start3A_73 = tpu.memref_slice %arg3[%add3A_37, %dma_start3A_71, %dma_start3A_72] : memref<2560x2x128xi32, #tpu.memory_space<hbm>> -> memref<1x2x128xi32, #tpu.memory_space<hbm>>
        %dma_start3A_74 = tpu.memref_squeeze %dma_start3A_73 : memref<1x2x128xi32, #tpu.memory_space<hbm>> -> memref<2x128xi32, #tpu.memory_space<hbm>>
        %dma_start3A_75 = arith.constant 0 : i32
        %dma_start3A_76 = arith.constant 0 : i32
        %dma_start3A_77 = tpu.memref_slice %arg3[%add3A_37, %dma_start3A_75, %dma_start3A_76] : memref<2560x2x128xi32, #tpu.memory_space<hbm>> -> memref<1x2x128xi32, #tpu.memory_space<hbm>>
        %dma_start3A_78 = tpu.memref_squeeze %dma_start3A_77 : memref<1x2x128xi32, #tpu.memory_space<hbm>> -> memref<2x128xi32, #tpu.memory_space<hbm>>
        tpu.enqueue_dma source(%dma_start3A_78 : memref<2x128xi32, #tpu.memory_space<hbm>>) target(%arg6 : memref<2x128xi32, #tpu.memory_space<vmem>>) target_semaphore(%run_scoped3A_70 : memref<!tpu.dma_semaphore, #tpu.memory_space<semaphore_mem>>)
        %dma_wait3A_79 = arith.constant 0 : i32
        %dma_wait3A_80 = arith.constant 0 : i32
        %dma_wait3A_81 = tpu.memref_slice %arg3[%add3A_37, %dma_wait3A_79, %dma_wait3A_80] : memref<2560x2x128xi32, #tpu.memory_space<hbm>> -> memref<1x2x128xi32, #tpu.memory_space<hbm>>
        %dma_wait3A_82 = tpu.memref_squeeze %dma_wait3A_81 : memref<1x2x128xi32, #tpu.memory_space<hbm>> -> memref<2x128xi32, #tpu.memory_space<hbm>>
        %dma_wait3A_83 = arith.constant 0 : i32
        %dma_wait3A_84 = arith.constant 0 : i32
        %dma_wait3A_85 = tpu.memref_slice %arg3[%add3A_37, %dma_wait3A_83, %dma_wait3A_84] : memref<2560x2x128xi32, #tpu.memory_space<hbm>> -> memref<1x2x128xi32, #tpu.memory_space<hbm>>
        %dma_wait3A_86 = tpu.memref_squeeze %dma_wait3A_85 : memref<1x2x128xi32, #tpu.memory_space<hbm>> -> memref<2x128xi32, #tpu.memory_space<hbm>>
        tpu.wait_dma2 semaphore(%run_scoped3A_70 : memref<!tpu.dma_semaphore, #tpu.memory_space<semaphore_mem>>) src(%dma_wait3A_86 : memref<2x128xi32, #tpu.memory_space<hbm>>) dst(%arg6 : memref<2x128xi32, #tpu.memory_space<vmem>>)
        tpu.yield
      }) : () -> ()
      %dma_start3A = arith.constant 0 : i32
      %dma_start3A_38 = arith.constant 0 : i32
      %dma_start3A_39 = tpu.memref_slice %arg6[%dma_start3A, %dma_start3A_38] : memref<2x128xi32, #tpu.memory_space<vmem>> -> memref<1x128xi32, #tpu.memory_space<vmem>>
      %dma_start3A_40 = tpu.memref_squeeze %dma_start3A_39 : memref<1x128xi32, #tpu.memory_space<vmem>> -> memref<128xi32, #tpu.memory_space<vmem>>
      %dma_start3A_41 = arith.constant 0 : i32
      %dma_start3A_42 = arith.constant 0 : i32
      %dma_start3A_43 = tpu.memref_slice %arg11[%dma_start3A_41, %dma_start3A_42] : memref<10048x144xbf16, #tpu.memory_space<vmem_shared>> -> memref<10048x144xbf16, #tpu.memory_space<vmem_shared>>
      tpu.enqueue_indirect_dma source(%dma_start3A_43 : memref<10048x144xbf16, #tpu.memory_space<vmem_shared>>) target(%arg8 : memref<128x144xbf16, #tpu.memory_space<vmem>>) offsets(%dma_start3A_40 : memref<128xi32, #tpu.memory_space<vmem>>) semaphore(%arg12 : memref<!tpu.dma_semaphore, #tpu.memory_space<semaphore_mem>>)
      %add3A_44 = arith.constant 1 : i32
      %add3A_45 = arith.addi %add3A_37, %add3A_44 : i32
      "tpu.region"() ({
        %run_scoped3A_70 = tpu.sem_alloc : memref<!tpu.dma_semaphore, #tpu.memory_space<semaphore_mem>>
        %dma_start3A_71 = arith.constant 0 : i32
        %dma_start3A_72 = arith.constant 0 : i32
        %dma_start3A_73 = tpu.memref_slice %arg3[%add3A_45, %dma_start3A_71, %dma_start3A_72] : memref<2560x2x128xi32, #tpu.memory_space<hbm>> -> memref<1x2x128xi32, #tpu.memory_space<hbm>>
        %dma_start3A_74 = tpu.memref_squeeze %dma_start3A_73 : memref<1x2x128xi32, #tpu.memory_space<hbm>> -> memref<2x128xi32, #tpu.memory_space<hbm>>
        %dma_start3A_75 = arith.constant 0 : i32
        %dma_start3A_76 = arith.constant 0 : i32
        %dma_start3A_77 = tpu.memref_slice %arg3[%add3A_45, %dma_start3A_75, %dma_start3A_76] : memref<2560x2x128xi32, #tpu.memory_space<hbm>> -> memref<1x2x128xi32, #tpu.memory_space<hbm>>
        %dma_start3A_78 = tpu.memref_squeeze %dma_start3A_77 : memref<1x2x128xi32, #tpu.memory_space<hbm>> -> memref<2x128xi32, #tpu.memory_space<hbm>>
        tpu.enqueue_dma source(%dma_start3A_78 : memref<2x128xi32, #tpu.memory_space<hbm>>) target(%arg7 : memref<2x128xi32, #tpu.memory_space<vmem>>) target_semaphore(%run_scoped3A_70 : memref<!tpu.dma_semaphore, #tpu.memory_space<semaphore_mem>>)
        %dma_wait3A_79 = arith.constant 0 : i32
        %dma_wait3A_80 = arith.constant 0 : i32
        %dma_wait3A_81 = tpu.memref_slice %arg3[%add3A_45, %dma_wait3A_79, %dma_wait3A_80] : memref<2560x2x128xi32, #tpu.memory_space<hbm>> -> memref<1x2x128xi32, #tpu.memory_space<hbm>>
        %dma_wait3A_82 = tpu.memref_squeeze %dma_wait3A_81 : memref<1x2x128xi32, #tpu.memory_space<hbm>> -> memref<2x128xi32, #tpu.memory_space<hbm>>
        %dma_wait3A_83 = arith.constant 0 : i32
        %dma_wait3A_84 = arith.constant 0 : i32
        %dma_wait3A_85 = tpu.memref_slice %arg3[%add3A_45, %dma_wait3A_83, %dma_wait3A_84] : memref<2560x2x128xi32, #tpu.memory_space<hbm>> -> memref<1x2x128xi32, #tpu.memory_space<hbm>>
        %dma_wait3A_86 = tpu.memref_squeeze %dma_wait3A_85 : memref<1x2x128xi32, #tpu.memory_space<hbm>> -> memref<2x128xi32, #tpu.memory_space<hbm>>
        tpu.wait_dma2 semaphore(%run_scoped3A_70 : memref<!tpu.dma_semaphore, #tpu.memory_space<semaphore_mem>>) src(%dma_wait3A_86 : memref<2x128xi32, #tpu.memory_space<hbm>>) dst(%arg7 : memref<2x128xi32, #tpu.memory_space<vmem>>)
        tpu.yield
      }) : () -> ()
      %dma_start3A_46 = arith.constant 0 : i32
      %dma_start3A_47 = arith.constant 0 : i32
      %dma_start3A_48 = tpu.memref_slice %arg7[%dma_start3A_46, %dma_start3A_47] : memref<2x128xi32, #tpu.memory_space<vmem>> -> memref<1x128xi32, #tpu.memory_space<vmem>>
      %dma_start3A_49 = tpu.memref_squeeze %dma_start3A_48 : memref<1x128xi32, #tpu.memory_space<vmem>> -> memref<128xi32, #tpu.memory_space<vmem>>
      %dma_start3A_50 = arith.constant 0 : i32
      %dma_start3A_51 = arith.constant 0 : i32
      %dma_start3A_52 = tpu.memref_slice %arg11[%dma_start3A_50, %dma_start3A_51] : memref<10048x144xbf16, #tpu.memory_space<vmem_shared>> -> memref<10048x144xbf16, #tpu.memory_space<vmem_shared>>
      tpu.enqueue_indirect_dma source(%dma_start3A_52 : memref<10048x144xbf16, #tpu.memory_space<vmem_shared>>) target(%arg9 : memref<128x144xbf16, #tpu.memory_space<vmem>>) offsets(%dma_start3A_49 : memref<128xi32, #tpu.memory_space<vmem>>) semaphore(%arg13 : memref<!tpu.dma_semaphore, #tpu.memory_space<semaphore_mem>>)
      %scan3A = arith.constant 0 : i32
      %scan3A_53 = arith.constant 0 : i32
      %scan3A_54 = arith.constant 33 : i32
      %scan3A_55 = arith.addi %scan3A_53, %scan3A_54 : i32
      %scan3A_56 = arith.constant 1 : i32
      scf.for %scan3A_70 = %scan3A_53 to %scan3A_55 step %scan3A_56  : i32 {
        %mul3A_71 = arith.constant 2 : i32
        %mul3A_72 = arith.muli %mul3A_71, %scan3A_70 : i32
        %add3A_73 = arith.addi %add3A_37, %mul3A_72 : i32
        %dma_wait3A_74 = arith.constant 0 : i32
        %dma_wait3A_75 = arith.constant 0 : i32
        %dma_wait3A_76 = tpu.memref_slice %arg2[%dma_wait3A_74, %dma_wait3A_75] : memref<10048x144xbf16, #tpu.memory_space<hbm>> -> memref<128x144xbf16, #tpu.memory_space<hbm>>
        %dma_wait3A_77 = arith.constant 0 : i32
        %dma_wait3A_78 = arith.constant 0 : i32
        %dma_wait3A_79 = tpu.memref_slice %arg2[%dma_wait3A_77, %dma_wait3A_78] : memref<10048x144xbf16, #tpu.memory_space<hbm>> -> memref<128x144xbf16, #tpu.memory_space<hbm>>
        tpu.wait_dma2 semaphore(%arg12 : memref<!tpu.dma_semaphore, #tpu.memory_space<semaphore_mem>>) src(%dma_wait3A_79 : memref<128x144xbf16, #tpu.memory_space<hbm>>) dst(%arg8 : memref<128x144xbf16, #tpu.memory_space<vmem>>)
        %run_scoped3A_80 = arith.constant 1 : i32
        "tpu.region"() ({
          %run_scoped3A_106 = tpu.sem_alloc : memref<!tpu.dma_semaphore, #tpu.memory_space<semaphore_mem>>
          %dma_start3A_107 = arith.constant 0 : i32
          %dma_start3A_108 = tpu.memref_slice %arg6[%run_scoped3A_80, %dma_start3A_107] : memref<2x128xi32, #tpu.memory_space<vmem>> -> memref<1x128xi32, #tpu.memory_space<vmem>>
          %dma_start3A_109 = tpu.memref_squeeze %dma_start3A_108 : memref<1x128xi32, #tpu.memory_space<vmem>> -> memref<128xi32, #tpu.memory_space<vmem>>
          %dma_start3A_110 = arith.constant 0 : i32
          %dma_start3A_111 = arith.constant 0 : i32
          %dma_start3A_112 = tpu.memref_slice %arg10[%dma_start3A_110, %dma_start3A_111] : memref<10240x144xbf16, #tpu.memory_space<vmem_shared>> -> memref<10240x144xbf16, #tpu.memory_space<vmem_shared>>
          tpu.enqueue_indirect_dma source(%arg8 : memref<128x144xbf16, #tpu.memory_space<vmem>>) target(%dma_start3A_112 : memref<10240x144xbf16, #tpu.memory_space<vmem_shared>>) offsets(%dma_start3A_109 : memref<128xi32, #tpu.memory_space<vmem>>) semaphore(%run_scoped3A_106 : memref<!tpu.dma_semaphore, #tpu.memory_space<semaphore_mem>>) {add = true}
          %dma_wait3A_113 = arith.constant 0 : i32
          %dma_wait3A_114 = tpu.memref_slice %arg6[%run_scoped3A_80, %dma_wait3A_113] : memref<2x128xi32, #tpu.memory_space<vmem>> -> memref<1x128xi32, #tpu.memory_space<vmem>>
          %dma_wait3A_115 = tpu.memref_squeeze %dma_wait3A_114 : memref<1x128xi32, #tpu.memory_space<vmem>> -> memref<128xi32, #tpu.memory_space<vmem>>
          %dma_wait3A_116 = arith.constant 0 : i32
          %dma_wait3A_117 = arith.constant 0 : i32
          %dma_wait3A_118 = tpu.memref_slice %arg10[%dma_wait3A_116, %dma_wait3A_117] : memref<10240x144xbf16, #tpu.memory_space<vmem_shared>> -> memref<10240x144xbf16, #tpu.memory_space<vmem_shared>>
          tpu.wait_indirect_dma semaphore(%run_scoped3A_106 : memref<!tpu.dma_semaphore, #tpu.memory_space<semaphore_mem>>) src(%arg8 : memref<128x144xbf16, #tpu.memory_space<vmem>>) dst(%dma_wait3A_118 : memref<10240x144xbf16, #tpu.memory_space<vmem_shared>>)
          tpu.yield
        }) : () -> ()
        %add3A_81 = arith.constant 2 : i32
        %add3A_82 = arith.addi %add3A_73, %add3A_81 : i32
        "tpu.region"() ({
          %run_scoped3A_106 = tpu.sem_alloc : memref<!tpu.dma_semaphore, #tpu.memory_space<semaphore_mem>>
          %dma_start3A_107 = arith.constant 0 : i32
          %dma_start3A_108 = arith.constant 0 : i32
          %dma_start3A_109 = tpu.memref_slice %arg3[%add3A_82, %dma_start3A_107, %dma_start3A_108] : memref<2560x2x128xi32, #tpu.memory_space<hbm>> -> memref<1x2x128xi32, #tpu.memory_space<hbm>>
          %dma_start3A_110 = tpu.memref_squeeze %dma_start3A_109 : memref<1x2x128xi32, #tpu.memory_space<hbm>> -> memref<2x128xi32, #tpu.memory_space<hbm>>
          %dma_start3A_111 = arith.constant 0 : i32
          %dma_start3A_112 = arith.constant 0 : i32
          %dma_start3A_113 = tpu.memref_slice %arg3[%add3A_82, %dma_start3A_111, %dma_start3A_112] : memref<2560x2x128xi32, #tpu.memory_space<hbm>> -> memref<1x2x128xi32, #tpu.memory_space<hbm>>
          %dma_start3A_114 = tpu.memref_squeeze %dma_start3A_113 : memref<1x2x128xi32, #tpu.memory_space<hbm>> -> memref<2x128xi32, #tpu.memory_space<hbm>>
          tpu.enqueue_dma source(%dma_start3A_114 : memref<2x128xi32, #tpu.memory_space<hbm>>) target(%arg6 : memref<2x128xi32, #tpu.memory_space<vmem>>) target_semaphore(%run_scoped3A_106 : memref<!tpu.dma_semaphore, #tpu.memory_space<semaphore_mem>>)
          %dma_wait3A_115 = arith.constant 0 : i32
          %dma_wait3A_116 = arith.constant 0 : i32
          %dma_wait3A_117 = tpu.memref_slice %arg3[%add3A_82, %dma_wait3A_115, %dma_wait3A_116] : memref<2560x2x128xi32, #tpu.memory_space<hbm>> -> memref<1x2x128xi32, #tpu.memory_space<hbm>>
          %dma_wait3A_118 = tpu.memref_squeeze %dma_wait3A_117 : memref<1x2x128xi32, #tpu.memory_space<hbm>> -> memref<2x128xi32, #tpu.memory_space<hbm>>
          %dma_wait3A_119 = arith.constant 0 : i32
          %dma_wait3A_120 = arith.constant 0 : i32
          %dma_wait3A_121 = tpu.memref_slice %arg3[%add3A_82, %dma_wait3A_119, %dma_wait3A_120] : memref<2560x2x128xi32, #tpu.memory_space<hbm>> -> memref<1x2x128xi32, #tpu.memory_space<hbm>>
          %dma_wait3A_122 = tpu.memref_squeeze %dma_wait3A_121 : memref<1x2x128xi32, #tpu.memory_space<hbm>> -> memref<2x128xi32, #tpu.memory_space<hbm>>
          tpu.wait_dma2 semaphore(%run_scoped3A_106 : memref<!tpu.dma_semaphore, #tpu.memory_space<semaphore_mem>>) src(%dma_wait3A_122 : memref<2x128xi32, #tpu.memory_space<hbm>>) dst(%arg6 : memref<2x128xi32, #tpu.memory_space<vmem>>)
          tpu.yield
        }) : () -> ()
        %dma_start3A_83 = arith.constant 0 : i32
        %dma_start3A_84 = arith.constant 0 : i32
        %dma_start3A_85 = tpu.memref_slice %arg6[%dma_start3A_83, %dma_start3A_84] : memref<2x128xi32, #tpu.memory_space<vmem>> -> memref<1x128xi32, #tpu.memory_space<vmem>>
        %dma_start3A_86 = tpu.memref_squeeze %dma_start3A_85 : memref<1x128xi32, #tpu.memory_space<vmem>> -> memref<128xi32, #tpu.memory_space<vmem>>
        %dma_start3A_87 = arith.constant 0 : i32
        %dma_start3A_88 = arith.constant 0 : i32
        %dma_start3A_89 = tpu.memref_slice %arg11[%dma_start3A_87, %dma_start3A_88] : memref<10048x144xbf16, #tpu.memory_space<vmem_shared>> -> memref<10048x144xbf16, #tpu.memory_space<vmem_shared>>
        tpu.enqueue_indirect_dma source(%dma_start3A_89 : memref<10048x144xbf16, #tpu.memory_space<vmem_shared>>) target(%arg8 : memref<128x144xbf16, #tpu.memory_space<vmem>>) offsets(%dma_start3A_86 : memref<128xi32, #tpu.memory_space<vmem>>) semaphore(%arg12 : memref<!tpu.dma_semaphore, #tpu.memory_space<semaphore_mem>>)
        %dma_wait3A_90 = arith.constant 0 : i32
        %dma_wait3A_91 = arith.constant 0 : i32
        %dma_wait3A_92 = tpu.memref_slice %arg2[%dma_wait3A_90, %dma_wait3A_91] : memref<10048x144xbf16, #tpu.memory_space<hbm>> -> memref<128x144xbf16, #tpu.memory_space<hbm>>
        %dma_wait3A_93 = arith.constant 0 : i32
        %dma_wait3A_94 = arith.constant 0 : i32
        %dma_wait3A_95 = tpu.memref_slice %arg2[%dma_wait3A_93, %dma_wait3A_94] : memref<10048x144xbf16, #tpu.memory_space<hbm>> -> memref<128x144xbf16, #tpu.memory_space<hbm>>
        tpu.wait_dma2 semaphore(%arg13 : memref<!tpu.dma_semaphore, #tpu.memory_space<semaphore_mem>>) src(%dma_wait3A_95 : memref<128x144xbf16, #tpu.memory_space<hbm>>) dst(%arg9 : memref<128x144xbf16, #tpu.memory_space<vmem>>)
        %run_scoped3A_96 = arith.constant 1 : i32
        "tpu.region"() ({
          %run_scoped3A_106 = tpu.sem_alloc : memref<!tpu.dma_semaphore, #tpu.memory_space<semaphore_mem>>
          %dma_start3A_107 = arith.constant 0 : i32
          %dma_start3A_108 = tpu.memref_slice %arg7[%run_scoped3A_96, %dma_start3A_107] : memref<2x128xi32, #tpu.memory_space<vmem>> -> memref<1x128xi32, #tpu.memory_space<vmem>>
          %dma_start3A_109 = tpu.memref_squeeze %dma_start3A_108 : memref<1x128xi32, #tpu.memory_space<vmem>> -> memref<128xi32, #tpu.memory_space<vmem>>
          %dma_start3A_110 = arith.constant 0 : i32
          %dma_start3A_111 = arith.constant 0 : i32
          %dma_start3A_112 = tpu.memref_slice %arg10[%dma_start3A_110, %dma_start3A_111] : memref<10240x144xbf16, #tpu.memory_space<vmem_shared>> -> memref<10240x144xbf16, #tpu.memory_space<vmem_shared>>
          tpu.enqueue_indirect_dma source(%arg9 : memref<128x144xbf16, #tpu.memory_space<vmem>>) target(%dma_start3A_112 : memref<10240x144xbf16, #tpu.memory_space<vmem_shared>>) offsets(%dma_start3A_109 : memref<128xi32, #tpu.memory_space<vmem>>) semaphore(%run_scoped3A_106 : memref<!tpu.dma_semaphore, #tpu.memory_space<semaphore_mem>>) {add = true}
          %dma_wait3A_113 = arith.constant 0 : i32
          %dma_wait3A_114 = tpu.memref_slice %arg7[%run_scoped3A_96, %dma_wait3A_113] : memref<2x128xi32, #tpu.memory_space<vmem>> -> memref<1x128xi32, #tpu.memory_space<vmem>>
          %dma_wait3A_115 = tpu.memref_squeeze %dma_wait3A_114 : memref<1x128xi32, #tpu.memory_space<vmem>> -> memref<128xi32, #tpu.memory_space<vmem>>
          %dma_wait3A_116 = arith.constant 0 : i32
          %dma_wait3A_117 = arith.constant 0 : i32
          %dma_wait3A_118 = tpu.memref_slice %arg10[%dma_wait3A_116, %dma_wait3A_117] : memref<10240x144xbf16, #tpu.memory_space<vmem_shared>> -> memref<10240x144xbf16, #tpu.memory_space<vmem_shared>>
          tpu.wait_indirect_dma semaphore(%run_scoped3A_106 : memref<!tpu.dma_semaphore, #tpu.memory_space<semaphore_mem>>) src(%arg9 : memref<128x144xbf16, #tpu.memory_space<vmem>>) dst(%dma_wait3A_118 : memref<10240x144xbf16, #tpu.memory_space<vmem_shared>>)
          tpu.yield
        }) : () -> ()
        %add3A_97 = arith.constant 3 : i32
        %add3A_98 = arith.addi %add3A_73, %add3A_97 : i32
        "tpu.region"() ({
          %run_scoped3A_106 = tpu.sem_alloc : memref<!tpu.dma_semaphore, #tpu.memory_space<semaphore_mem>>
          %dma_start3A_107 = arith.constant 0 : i32
          %dma_start3A_108 = arith.constant 0 : i32
          %dma_start3A_109 = tpu.memref_slice %arg3[%add3A_98, %dma_start3A_107, %dma_start3A_108] : memref<2560x2x128xi32, #tpu.memory_space<hbm>> -> memref<1x2x128xi32, #tpu.memory_space<hbm>>
          %dma_start3A_110 = tpu.memref_squeeze %dma_start3A_109 : memref<1x2x128xi32, #tpu.memory_space<hbm>> -> memref<2x128xi32, #tpu.memory_space<hbm>>
          %dma_start3A_111 = arith.constant 0 : i32
          %dma_start3A_112 = arith.constant 0 : i32
          %dma_start3A_113 = tpu.memref_slice %arg3[%add3A_98, %dma_start3A_111, %dma_start3A_112] : memref<2560x2x128xi32, #tpu.memory_space<hbm>> -> memref<1x2x128xi32, #tpu.memory_space<hbm>>
          %dma_start3A_114 = tpu.memref_squeeze %dma_start3A_113 : memref<1x2x128xi32, #tpu.memory_space<hbm>> -> memref<2x128xi32, #tpu.memory_space<hbm>>
          tpu.enqueue_dma source(%dma_start3A_114 : memref<2x128xi32, #tpu.memory_space<hbm>>) target(%arg7 : memref<2x128xi32, #tpu.memory_space<vmem>>) target_semaphore(%run_scoped3A_106 : memref<!tpu.dma_semaphore, #tpu.memory_space<semaphore_mem>>)
          %dma_wait3A_115 = arith.constant 0 : i32
          %dma_wait3A_116 = arith.constant 0 : i32
          %dma_wait3A_117 = tpu.memref_slice %arg3[%add3A_98, %dma_wait3A_115, %dma_wait3A_116] : memref<2560x2x128xi32, #tpu.memory_space<hbm>> -> memref<1x2x128xi32, #tpu.memory_space<hbm>>
          %dma_wait3A_118 = tpu.memref_squeeze %dma_wait3A_117 : memref<1x2x128xi32, #tpu.memory_space<hbm>> -> memref<2x128xi32, #tpu.memory_space<hbm>>
          %dma_wait3A_119 = arith.constant 0 : i32
          %dma_wait3A_120 = arith.constant 0 : i32
          %dma_wait3A_121 = tpu.memref_slice %arg3[%add3A_98, %dma_wait3A_119, %dma_wait3A_120] : memref<2560x2x128xi32, #tpu.memory_space<hbm>> -> memref<1x2x128xi32, #tpu.memory_space<hbm>>
          %dma_wait3A_122 = tpu.memref_squeeze %dma_wait3A_121 : memref<1x2x128xi32, #tpu.memory_space<hbm>> -> memref<2x128xi32, #tpu.memory_space<hbm>>
          tpu.wait_dma2 semaphore(%run_scoped3A_106 : memref<!tpu.dma_semaphore, #tpu.memory_space<semaphore_mem>>) src(%dma_wait3A_122 : memref<2x128xi32, #tpu.memory_space<hbm>>) dst(%arg7 : memref<2x128xi32, #tpu.memory_space<vmem>>)
          tpu.yield
        }) : () -> ()
        %dma_start3A_99 = arith.constant 0 : i32
        %dma_start3A_100 = arith.constant 0 : i32
        %dma_start3A_101 = tpu.memref_slice %arg7[%dma_start3A_99, %dma_start3A_100] : memref<2x128xi32, #tpu.memory_space<vmem>> -> memref<1x128xi32, #tpu.memory_space<vmem>>
        %dma_start3A_102 = tpu.memref_squeeze %dma_start3A_101 : memref<1x128xi32, #tpu.memory_space<vmem>> -> memref<128xi32, #tpu.memory_space<vmem>>
        %dma_start3A_103 = arith.constant 0 : i32
        %dma_start3A_104 = arith.constant 0 : i32
        %dma_start3A_105 = tpu.memref_slice %arg11[%dma_start3A_103, %dma_start3A_104] : memref<10048x144xbf16, #tpu.memory_space<vmem_shared>> -> memref<10048x144xbf16, #tpu.memory_space<vmem_shared>>
        tpu.enqueue_indirect_dma source(%dma_start3A_105 : memref<10048x144xbf16, #tpu.memory_space<vmem_shared>>) target(%arg9 : memref<128x144xbf16, #tpu.memory_space<vmem>>) offsets(%dma_start3A_102 : memref<128xi32, #tpu.memory_space<vmem>>) semaphore(%arg13 : memref<!tpu.dma_semaphore, #tpu.memory_space<semaphore_mem>>)
      }
      %scan3A_57 = arith.constant 33 : i32
      %dma_wait3A = arith.constant 0 : i32
      %dma_wait3A_58 = arith.constant 0 : i32
      %dma_wait3A_59 = tpu.memref_slice %arg2[%dma_wait3A, %dma_wait3A_58] : memref<10048x144xbf16, #tpu.memory_space<hbm>> -> memref<128x144xbf16, #tpu.memory_space<hbm>>
      %dma_wait3A_60 = arith.constant 0 : i32
      %dma_wait3A_61 = arith.constant 0 : i32
      %dma_wait3A_62 = tpu.memref_slice %arg2[%dma_wait3A_60, %dma_wait3A_61] : memref<10048x144xbf16, #tpu.memory_space<hbm>> -> memref<128x144xbf16, #tpu.memory_space<hbm>>
      tpu.wait_dma2 semaphore(%arg12 : memref<!tpu.dma_semaphore, #tpu.memory_space<semaphore_mem>>) src(%dma_wait3A_62 : memref<128x144xbf16, #tpu.memory_space<hbm>>) dst(%arg8 : memref<128x144xbf16, #tpu.memory_space<vmem>>)
      %run_scoped3A = arith.constant 1 : i32
      "tpu.region"() ({
        %run_scoped3A_70 = tpu.sem_alloc : memref<!tpu.dma_semaphore, #tpu.memory_space<semaphore_mem>>
        %dma_start3A_71 = arith.constant 0 : i32
        %dma_start3A_72 = tpu.memref_slice %arg6[%run_scoped3A, %dma_start3A_71] : memref<2x128xi32, #tpu.memory_space<vmem>> -> memref<1x128xi32, #tpu.memory_space<vmem>>
        %dma_start3A_73 = tpu.memref_squeeze %dma_start3A_72 : memref<1x128xi32, #tpu.memory_space<vmem>> -> memref<128xi32, #tpu.memory_space<vmem>>
        %dma_start3A_74 = arith.constant 0 : i32
        %dma_start3A_75 = arith.constant 0 : i32
        %dma_start3A_76 = tpu.memref_slice %arg10[%dma_start3A_74, %dma_start3A_75] : memref<10240x144xbf16, #tpu.memory_space<vmem_shared>> -> memref<10240x144xbf16, #tpu.memory_space<vmem_shared>>
        tpu.enqueue_indirect_dma source(%arg8 : memref<128x144xbf16, #tpu.memory_space<vmem>>) target(%dma_start3A_76 : memref<10240x144xbf16, #tpu.memory_space<vmem_shared>>) offsets(%dma_start3A_73 : memref<128xi32, #tpu.memory_space<vmem>>) semaphore(%run_scoped3A_70 : memref<!tpu.dma_semaphore, #tpu.memory_space<semaphore_mem>>) {add = true}
        %dma_wait3A_77 = arith.constant 0 : i32
        %dma_wait3A_78 = tpu.memref_slice %arg6[%run_scoped3A, %dma_wait3A_77] : memref<2x128xi32, #tpu.memory_space<vmem>> -> memref<1x128xi32, #tpu.memory_space<vmem>>
        %dma_wait3A_79 = tpu.memref_squeeze %dma_wait3A_78 : memref<1x128xi32, #tpu.memory_space<vmem>> -> memref<128xi32, #tpu.memory_space<vmem>>
        %dma_wait3A_80 = arith.constant 0 : i32
        %dma_wait3A_81 = arith.constant 0 : i32
        %dma_wait3A_82 = tpu.memref_slice %arg10[%dma_wait3A_80, %dma_wait3A_81] : memref<10240x144xbf16, #tpu.memory_space<vmem_shared>> -> memref<10240x144xbf16, #tpu.memory_space<vmem_shared>>
        tpu.wait_indirect_dma semaphore(%run_scoped3A_70 : memref<!tpu.dma_semaphore, #tpu.memory_space<semaphore_mem>>) src(%arg8 : memref<128x144xbf16, #tpu.memory_space<vmem>>) dst(%dma_wait3A_82 : memref<10240x144xbf16, #tpu.memory_space<vmem_shared>>)
        tpu.yield
      }) : () -> ()
      %dma_wait3A_63 = arith.constant 0 : i32
      %dma_wait3A_64 = arith.constant 0 : i32
      %dma_wait3A_65 = tpu.memref_slice %arg2[%dma_wait3A_63, %dma_wait3A_64] : memref<10048x144xbf16, #tpu.memory_space<hbm>> -> memref<128x144xbf16, #tpu.memory_space<hbm>>
      %dma_wait3A_66 = arith.constant 0 : i32
      %dma_wait3A_67 = arith.constant 0 : i32
      %dma_wait3A_68 = tpu.memref_slice %arg2[%dma_wait3A_66, %dma_wait3A_67] : memref<10048x144xbf16, #tpu.memory_space<hbm>> -> memref<128x144xbf16, #tpu.memory_space<hbm>>
      tpu.wait_dma2 semaphore(%arg13 : memref<!tpu.dma_semaphore, #tpu.memory_space<semaphore_mem>>) src(%dma_wait3A_68 : memref<128x144xbf16, #tpu.memory_space<hbm>>) dst(%arg9 : memref<128x144xbf16, #tpu.memory_space<vmem>>)
      %run_scoped3A_69 = arith.constant 1 : i32
      "tpu.region"() ({
        %run_scoped3A_70 = tpu.sem_alloc : memref<!tpu.dma_semaphore, #tpu.memory_space<semaphore_mem>>
        %dma_start3A_71 = arith.constant 0 : i32
        %dma_start3A_72 = tpu.memref_slice %arg7[%run_scoped3A_69, %dma_start3A_71] : memref<2x128xi32, #tpu.memory_space<vmem>> -> memref<1x128xi32, #tpu.memory_space<vmem>>
        %dma_start3A_73 = tpu.memref_squeeze %dma_start3A_72 : memref<1x128xi32, #tpu.memory_space<vmem>> -> memref<128xi32, #tpu.memory_space<vmem>>
        %dma_start3A_74 = arith.constant 0 : i32
        %dma_start3A_75 = arith.constant 0 : i32
        %dma_start3A_76 = tpu.memref_slice %arg10[%dma_start3A_74, %dma_start3A_75] : memref<10240x144xbf16, #tpu.memory_space<vmem_shared>> -> memref<10240x144xbf16, #tpu.memory_space<vmem_shared>>
        tpu.enqueue_indirect_dma source(%arg9 : memref<128x144xbf16, #tpu.memory_space<vmem>>) target(%dma_start3A_76 : memref<10240x144xbf16, #tpu.memory_space<vmem_shared>>) offsets(%dma_start3A_73 : memref<128xi32, #tpu.memory_space<vmem>>) semaphore(%run_scoped3A_70 : memref<!tpu.dma_semaphore, #tpu.memory_space<semaphore_mem>>) {add = true}
        %dma_wait3A_77 = arith.constant 0 : i32
        %dma_wait3A_78 = tpu.memref_slice %arg7[%run_scoped3A_69, %dma_wait3A_77] : memref<2x128xi32, #tpu.memory_space<vmem>> -> memref<1x128xi32, #tpu.memory_space<vmem>>
        %dma_wait3A_79 = tpu.memref_squeeze %dma_wait3A_78 : memref<1x128xi32, #tpu.memory_space<vmem>> -> memref<128xi32, #tpu.memory_space<vmem>>
        %dma_wait3A_80 = arith.constant 0 : i32
        %dma_wait3A_81 = arith.constant 0 : i32
        %dma_wait3A_82 = tpu.memref_slice %arg10[%dma_wait3A_80, %dma_wait3A_81] : memref<10240x144xbf16, #tpu.memory_space<vmem_shared>> -> memref<10240x144xbf16, #tpu.memory_space<vmem_shared>>
        tpu.wait_indirect_dma semaphore(%run_scoped3A_70 : memref<!tpu.dma_semaphore, #tpu.memory_space<semaphore_mem>>) src(%arg9 : memref<128x144xbf16, #tpu.memory_space<vmem>>) dst(%dma_wait3A_82 : memref<10240x144xbf16, #tpu.memory_space<vmem_shared>>)
        tpu.yield
      }) : () -> ()
    } else {
    }
    %barrier3A_29 = arith.constant 0 : index
    tpu.barrier barrier_id(%barrier3A_29)
    %mul3A_30 = arith.constant 640 : i32
    %mul3A_31 = arith.muli %arg1, %mul3A_30 : i32
    %mul3A_32 = arith.constant 640 : i32
    %mul3A_33 = arith.muli %arg1, %mul3A_32 : i32
    "tpu.region"() ({
      %run_scoped3A = tpu.sem_alloc : memref<!tpu.dma_semaphore, #tpu.memory_space<semaphore_mem>>
      %dma_start3A = arith.constant 0 : i32
      %dma_start3A_34 = tpu.memref_slice %arg5[%arg0, %mul3A_33, %dma_start3A] : memref<2x10240x144xbf16, #tpu.memory_space<hbm>> -> memref<1x640x144xbf16, #tpu.memory_space<hbm>>
      %dma_start3A_35 = tpu.memref_squeeze %dma_start3A_34 : memref<1x640x144xbf16, #tpu.memory_space<hbm>> -> memref<640x144xbf16, #tpu.memory_space<hbm>>
      %dma_start3A_36 = arith.constant 0 : i32
      %dma_start3A_37 = tpu.memref_slice %arg10[%mul3A_31, %dma_start3A_36] : memref<10240x144xbf16, #tpu.memory_space<vmem_shared>> -> memref<640x144xbf16, #tpu.memory_space<vmem_shared>>
      tpu.enqueue_dma source(%dma_start3A_37 : memref<640x144xbf16, #tpu.memory_space<vmem_shared>>) target(%dma_start3A_35 : memref<640x144xbf16, #tpu.memory_space<hbm>>) target_semaphore(%run_scoped3A : memref<!tpu.dma_semaphore, #tpu.memory_space<semaphore_mem>>)
      %dma_wait3A = arith.constant 0 : i32
      %dma_wait3A_38 = tpu.memref_slice %arg5[%arg0, %mul3A_33, %dma_wait3A] : memref<2x10240x144xbf16, #tpu.memory_space<hbm>> -> memref<1x640x144xbf16, #tpu.memory_space<hbm>>
      %dma_wait3A_39 = tpu.memref_squeeze %dma_wait3A_38 : memref<1x640x144xbf16, #tpu.memory_space<hbm>> -> memref<640x144xbf16, #tpu.memory_space<hbm>>
      %dma_wait3A_40 = arith.constant 0 : i32
      %dma_wait3A_41 = tpu.memref_slice %arg10[%mul3A_31, %dma_wait3A_40] : memref<10240x144xbf16, #tpu.memory_space<vmem_shared>> -> memref<640x144xbf16, #tpu.memory_space<vmem_shared>>
      tpu.wait_dma2 semaphore(%run_scoped3A : memref<!tpu.dma_semaphore, #tpu.memory_space<semaphore_mem>>) src(%dma_wait3A_41 : memref<640x144xbf16, #tpu.memory_space<vmem_shared>>) dst(%dma_wait3A_39 : memref<640x144xbf16, #tpu.memory_space<hbm>>)
      tpu.yield
    }) : () -> ()
    return
  }
}

module attributes {stable_mosaic.version = 14 : i64} {
  func.func @_combine_body(%arg0: i32, %arg1: memref<2x400x144xbf16, #tpu.memory_space<vmem>>, %arg2: memref<400x128xf32, #tpu.memory_space<vmem>>, %arg3: memref<400x4xf32, #tpu.memory_space<vmem>>, %arg4: memref<400x132xf32, #tpu.memory_space<vmem>>) attributes {dimension_semantics = [#tpu.dimension_semantics<arbitrary>], iteration_bounds = array<i64: 25>, scalar_prefetch = 0 : i64, scratch_operands = 0 : i64, tpu.core_type = #tpu.core_type<tc>, window_params = [{transform_indices = @transform_0, window_bounds = array<i64: 2, 400, 144>}, {transform_indices = @transform_1, window_bounds = array<i64: 400, 128>}, {transform_indices = @transform_2, window_bounds = array<i64: 400, 4>}, {transform_indices = @transform_3, window_bounds = array<i64: 400, 132>}]} {
    %get3A = arith.constant 0 : index
    %get3A_0 = arith.constant 0 : index
    %get3A_1 = arith.constant 0 : index
    %get3A_2 = vector.load %arg1[%get3A, %get3A_0, %get3A_1] : memref<2x400x144xbf16, #tpu.memory_space<vmem>>, vector<1x400x144xbf16>
    %get3A_3 = vector.shape_cast %get3A_2 : vector<1x400x144xbf16> to vector<400x144xbf16>
    %convert_element_type3A = arith.extf %get3A_3 : vector<400x144xbf16> to vector<400x144xf32>
    %get3A_4 = arith.constant 1 : index
    %get3A_5 = arith.constant 0 : index
    %get3A_6 = arith.constant 0 : index
    %get3A_7 = vector.load %arg1[%get3A_4, %get3A_5, %get3A_6] : memref<2x400x144xbf16, #tpu.memory_space<vmem>>, vector<1x400x144xbf16>
    %get3A_8 = vector.shape_cast %get3A_7 : vector<1x400x144xbf16> to vector<400x144xbf16>
    %convert_element_type3A_9 = arith.extf %get3A_8 : vector<400x144xbf16> to vector<400x144xf32>
    %add3A = arith.addf %convert_element_type3A, %convert_element_type3A_9 : vector<400x144xf32>
    %slice3A = vector.extract_strided_slice %add3A {offsets = [0, 132], sizes = [400, 1], strides = [1, 1]} : vector<400x144xf32> to vector<400x1xf32>
    %slice3A_10 = vector.extract_strided_slice %add3A {offsets = [0, 0], sizes = [400, 128], strides = [1, 1]} : vector<400x144xf32> to vector<400x128xf32>
    %get3A_11 = arith.constant 0 : index
    %get3A_12 = arith.constant 0 : index
    %get3A_13 = vector.load %arg2[%get3A_11, %get3A_12] : memref<400x128xf32, #tpu.memory_space<vmem>>, vector<400x128xf32>
    %add3A_14 = arith.addf %slice3A_10, %get3A_13 : vector<400x128xf32>
    %slice3A_15 = vector.extract_strided_slice %add3A {offsets = [0, 128], sizes = [400, 4], strides = [1, 1]} : vector<400x144xf32> to vector<400x4xf32>
    %get3A_16 = arith.constant 0 : index
    %get3A_17 = arith.constant 0 : index
    %get3A_18 = vector.load %arg3[%get3A_16, %get3A_17] : memref<400x4xf32, #tpu.memory_space<vmem>>, vector<400x4xf32>
    %mul3A = vector.broadcast %slice3A : vector<400x1xf32> to vector<400x4xf32>
    %mul3A_19 = arith.mulf %mul3A, %get3A_18 : vector<400x4xf32>
    %sub3A = arith.subf %slice3A_15, %mul3A_19 : vector<400x4xf32>
    %concatenate3A = tpu.concatenate %add3A_14, %sub3A in 1 : vector<400x128xf32>, vector<400x4xf32> -> vector<400x132xf32>
    %swap3A = arith.constant 0 : index
    %swap3A_20 = arith.constant 0 : index
    %swap3A_21 = vector.load %arg4[%swap3A, %swap3A_20] : memref<400x132xf32, #tpu.memory_space<vmem>>, vector<400x132xf32>
    tpu.vector_store %arg4[%swap3A, %swap3A_20], %concatenate3A {strides = array<i32>} : memref<400x132xf32, #tpu.memory_space<vmem>>, vector<400x132xf32>,
    return
  }
  func.func @transform_0(%arg0: i32) -> (i32, i32, i32) {
    %c0_i32 = arith.constant 0 : i32
    %c0_i32_0 = arith.constant 0 : i32
    %c0_i32_1 = arith.constant 0 : i32
    return %c0_i32, %arg0, %c0_i32_0 : i32, i32, i32
  }
  func.func @transform_1(%arg0: i32) -> (i32, i32) {
    %c0_i32 = arith.constant 0 : i32
    %c0_i32_0 = arith.constant 0 : i32
    return %arg0, %c0_i32 : i32, i32
  }
  func.func @transform_2(%arg0: i32) -> (i32, i32) {
    %c0_i32 = arith.constant 0 : i32
    %c0_i32_0 = arith.constant 0 : i32
    return %arg0, %c0_i32 : i32, i32
  }
  func.func @transform_3(%arg0: i32) -> (i32, i32) {
    %c0_i32 = arith.constant 0 : i32
    %c0_i32_0 = arith.constant 0 : i32
    return %arg0, %c0_i32 : i32, i32
  }
}

</mosaic_0001>

<sc_bundles>
// kernel: kernel.4.cloned.1.call-start
scs
__scs_entry_jumppad:
0x0: {  	(pc) =	sbr.rel $0x88, $3  }
0x1: {  	(tag) =	ssettag $0x0;
	lr =	simm.s32 $0x1  }
0x2: {  	[smem:$0x3F9E] =	sst lr;
	_ =	strace $0xD0000000  }
0x3: {  	_ = 	snop  }
0x4: {  	_ = 	snop  }
0x5: {  	_ = 	snop  }
0x6: {  	_ = 	snop  }
0x7: {  	_ = 	snop  }
__scs_overlays_trampoline_lowered:
0x8: {  	[smem:$0x3FAD] =	sst s0  }
0x9: {  	[smem:$0x3FAE] =	sst s1  }
0xa: {  	[smem:$0x3FAF] =	sst s2  }
0xb: {  	[smem:$0x3FB0] =	sst s3  }
0xc: {  	[smem:$0x3FB1] =	sst s4  }
0xd: {  	[smem:$0x3FB2] =	sst s5  }
0xe: {  	[smem:$0x3FB3] =	sst s6  }
0xf: {  	[smem:$0x3FB4] =	sst s7  }
0x10: {  	[smem:$0x3FB5] =	sst s8  }
0x11: {  	[smem:$0x3FB6] =	sst s9;
	s0 =	simm.s32 @!p0 $0x0  }
0x12: {  	s1 =	sld [smem:$0x3F9C];
	s0 =	simm.s32 @p0 $0x1  }
0x13: {  	[smem:$0x3FB7] =	sst s0;
	s0 =	simm.s32 @!p1 $0x0  }
0x14: {  	s2 =	sld [smem:$0x3F9B];
	s0 =	simm.s32 @p1 $0x1  }
0x15: {  	[smem:$0x3FB8] =	sst s0;
	s0 =	simm.s32 @!p2 $0x0  }
0x16: {  	s3 =	sld [smem:$0x3FDB];
	s0 =	simm.s32 @p2 $0x1  }
0x17: {  	s4 =	simm.s32 $0x1BF5;
	[smem:$0x3FBA] =	sst s0  }
0x18: {  	s0 =	sld [smem:$0x3F9D];
	_ =	swait.ge [sflag:s4], $0x0  }
0x19: {  	s7 =	sld [smem:$0x3F9E]  }
0x1a: {  	s8 =	sadd.s32 $0xFFFFE003, lr  }
0x1b: {  	s9 =	sadd.s32 $0xFFFFFEF7, lr;
	s5 =	simm.s32 $0xFFFFFFFF;
	p2 =	slt.u32 s8, $0xFFFFF086  }
0x1c: {  	p1 =	slt.u32 s9, $0xF7A;
	s5 =	simm.s32 @!p2 $0x0  }
0x1d: {  	s5 =	simm.s32 @p1 $0x1;
	p0 =	seq.s32 s7, s2  }
0x1e: {  	s7 =	smul.u32 @!p0 $0xF7A, s2;
	p2 =	seq.s32 @!p0 s5, $0x0  }
0x1f: {  	s9 =	smul.u32 $0xF7A, s1;
	s8 =	simm.s32 @!p0 $0x1BF5;
	p2 =	por !p2, p0  }
0x20: {  	[sflag:s8] =	ssyncset.s32 @!p0 $0xFFFFF086;
	s6 =	sadd.s32 @!p0 s3, s7;
	s7 =	simm.s32 @!p0 $0x108  }
0x21: {  	s3 =	sadd.s32 s3, s9;
	s6 =	sadd.s32 @!p0 $0x88, s6;
	s7 =	simm.s32 @p2 $0x1082  }
0x22: {  	[simem:s7], [sflag:s8] =	dma.local @!p0 [hbm:s6], $0xF7A  }
0x23: {  	s9 =	sor.u32 $0xD0000000, s2;
	s6 =	simm.s32 $0x108;
	_ =	swait.ge @!p0 [sflag:s8], $0x0  }
0x24: {  	s3 =	sadd.s32 $0x88, s3;
	s6 =	simm.s32 @!p1 $0x1082;
	[sflag:s4] =	ssyncset.s32 $0xFFFFF086  }
0x25: {  	[simem:s6], [sflag:s4] =	dma.local [hbm:s3], $0xF7A  }
0x26: {  	[smem:$0x3F9E] =	sst s1;
	(tag) =	ssettag s2;
	_ =	strace s9  }
0x27: {  	s1 =	sld [smem:$0x3FAE]  }
0x28: {  	s2 =	sld [smem:$0x3FAF]  }
0x29: {  	s4 =	sld [smem:$0x3FB1]  }
0x2a: {  	p0 =	seq.s32 s5, $0x0;
	s5 =	sld [smem:$0x3FB2]  }
0x2b: {  	s6 =	sld [smem:$0x3FB3]  }
0x2c: {  	s7 =	sld [smem:$0x3FB4]  }
0x2d: {  	s3 =	simm.s32 $0x108;
	s8 =	sld [smem:$0x3FB5]  }
0x2e: {  	s3 =	simm.s32 @!p0 $0x1082;
	s9 =	sld [smem:$0x3FB6]  }
0x2f: {  	lr =	sadd.s32 s0, s3;
	s0 =	sld [smem:$0x3FAD]  }
0x30: {  	s3 =	sld [smem:$0x3FB0]  }
0x31: {  	[smem:$0x3FB9] =	sst s10  }
0x32: {  	s10 =	sld [smem:$0x3FB7];
	_ =	sdelay $0x3  }
0x33: {  	p0 =	seq.s32 s10, $0x1;
	s10 =	sld [smem:$0x3FB9];
	_ =	sdelay $0x3  }
0x34: {  	[smem:$0x3FB9] =	sst s10  }
0x35: {  	s10 =	sld [smem:$0x3FB8];
	_ =	sdelay $0x3  }
0x36: {  	p1 =	seq.s32 s10, $0x1;
	s10 =	sld [smem:$0x3FB9];
	_ =	sdelay $0x3  }
0x37: {  	[smem:$0x3FB9] =	sst s10  }
0x38: {  	s10 =	sld [smem:$0x3FBA]  }
0x39: {  	_ = 	snop;
	(pc) =	sbr.ind lr, $3  }
0x3a: {  	_ = 	snop  }
0x3b: {  	_ = 	snop  }
0x3c: {  	p2 =	seq.s32 s10, $0x1;
	s10 =	sld [smem:$0x3FB9]  }
0x3d: {  	_ =	shalt  }
0x3e: {  	_ =	shalt  }
0x3f: {  	_ =	shalt  }
0x40: {  	_ =	shalt  }
0x41: {  	_ =	shalt  }
0x42: {  	_ =	shalt  }
0x43: {  	_ =	shalt  }
0x44: {  	_ =	shalt  }
0x45: {  	_ =	shalt  }
0x46: {  	_ =	shalt  }
0x47: {  	_ =	shalt  }
0x48: {  	_ =	shalt  }
0x49: {  	_ =	shalt  }
0x4a: {  	_ =	shalt  }
0x4b: {  	_ =	shalt  }
0x4c: {  	_ =	shalt  }
0x4d: {  	_ =	shalt  }
0x4e: {  	_ =	shalt  }
0x4f: {  	_ =	shalt  }
0x50: {  	_ =	shalt  }
0x51: {  	_ =	shalt  }
0x52: {  	_ =	shalt  }
0x53: {  	_ =	shalt  }
0x54: {  	_ =	shalt  }
0x55: {  	_ =	shalt  }
0x56: {  	_ =	shalt  }
0x57: {  	_ =	shalt  }
0x58: {  	_ =	shalt  }
0x59: {  	_ =	shalt  }
0x5a: {  	_ =	shalt  }
0x5b: {  	_ =	shalt  }
0x5c: {  	_ =	shalt  }
0x5d: {  	_ =	shalt  }
0x5e: {  	_ =	shalt  }
0x5f: {  	_ =	shalt  }
0x60: {  	_ =	shalt  }
0x61: {  	_ =	shalt  }
0x62: {  	_ =	shalt  }
0x63: {  	_ =	shalt  }
0x64: {  	_ =	shalt  }
0x65: {  	_ =	shalt  }
0x66: {  	_ =	shalt  }
0x67: {  	_ =	shalt  }
0x68: {  	_ =	shalt  }
0x69: {  	_ =	shalt  }
0x6a: {  	_ =	shalt  }
0x6b: {  	_ =	shalt  }
0x6c: {  	_ =	shalt  }
0x6d: {  	_ =	shalt  }
0x6e: {  	_ =	shalt  }
0x6f: {  	_ =	shalt  }
0x70: {  	_ =	shalt  }
0x71: {  	_ =	shalt  }
0x72: {  	_ =	shalt  }
0x73: {  	_ =	shalt  }
0x74: {  	_ =	shalt  }
0x75: {  	_ =	shalt  }
0x76: {  	_ =	shalt  }
0x77: {  	_ =	shalt  }
0x78: {  	_ =	shalt  }
0x79: {  	_ =	shalt  }
0x7a: {  	_ =	shalt  }
0x7b: {  	_ =	shalt  }
0x7c: {  	_ =	shalt  }
0x7d: {  	_ =	shalt  }
0x7e: {  	_ =	shalt  }
0x7f: {  	_ =	shalt  }
0x80: {  	_ =	shalt  }
0x81: {  	_ =	shalt  }
0x82: {  	_ =	shalt  }
0x83: {  	_ =	shalt  }
0x84: {  	_ =	shalt  }
0x85: {  	_ =	shalt  }
0x86: {  	_ =	shalt  }
0x87: {  	_ =	shalt  }
.Lfunc_end0:
.L_simem_size_0:
called_computation_lowered:
.L_overlay_start_0:
0x88: {  	s2 =	sld [smem:$0x3FD9]  }
0x89: {  	s3 =	sld [smem:$0x3FFE];
	_ =	sdelay $0x1  }
0x8a: {  	s1 =	srdreg.scid  }
0x8b: {  	s0 =	sand.u32 $0x1, s1  }
0x8c: {  	s17 =	sshll.u32 s0, $0xA;
	s2 =	sadd.s32 s3, s2  }
0x8d: {  	s2 =	sadd.s32 s2, s17  }
0x8e: {  	[smem:$0x3FC5] =	sst s2  }
0x8f: {  	_ = 	snop  }
0x90: {  	s2 =	sld [smem:$0x3FD0];
	(tm) =	ssettm $0x1  }
0x91: {  	s18 =	sld [smem:$0x3FFB];
	_ =	sdelay $0x3  }
0x92: {  	_ =	strace s18  }
0x93: {  	s3 =	sld [smem:$0x3FFC];
	_ =	sdelay $0x3  }
0x94: {  	_ =	strace s3  }
0x95: {  	s3 =	sld [smem:$0x3FFD];
	_ =	sdelay $0x3  }
0x96: {  	_ =	strace s3  }
0x97: {  	_ =	strace $0x8FFFFFFF  }
0x98: {  	s19 =	sld [smem:$0x3FDB];
	_ =	sdelay $0x1  }
0x99: {  	s4 =	simm.s32 $_scs_section_size  }
0x9a: {  	s5 =	simm.s32 $_size__tile_overlayer_lowered;
	s6 =	simm.s32 $_tile_overlayer_lowered  }
0x9b: {  	s22 =	simm.s32 $0x1BFF;
	s21 =	sshll.u32 s6, $0x1;
	s3 =	sadd.s32 s4, s19  }
0x9c: {  	s7 =	simm.s32 $0x0;
	s20 =	sshll.u32 s5, $0x1;
	s5 =	sadd.s32 s21, s3  }
0x9d: {  	[timem:s7], [sflag:s22] =	dma.local [hbm:s5], s20  }
0x9e: {  	_ =	swait.ge [sflag:s22], s20  }
0x9f: {  	s4 =	ssub.s32 $0x0, s20;
	[sflag:s22] =	ssyncset.done $0x0  }
0xa0: {  	[sflag:s22] =	ssyncadd.s32 s4;
	_ =	sdelay $0x1  }
0xa1: {  	s23 =	simm.s32 $0x1B8B  }
0xa2: {  	_ =	swait.ge [sflag:s23], $0x1  }
0xa3: {  	[sflag:s23] =	ssyncset.done $0x0  }
0xa4: {  	s25 =	simm.s32 $0x1B8E;
	s24 =	sld [smem:$0x3FFE];
	[sflag:s23] =	ssyncadd.s32 $0xFFFFFFFF  }
0xa5: {  	s26 =	simm.s32 $execute0_lowered;
	[smem:$0x3FD2] =	sst s25  }
0xa6: {  	s5 =	sshll.u32 s26, $0x1;
	_ =	strace $0x80000046;
	[dreg:$0x1] =	wrdreg $0xFFFFFFFF  }
0xa7: {  	s28 =	simm.s32 $_size_execute0_lowered;
	s3 =	sadd.s32 s3, s5;
	[dreg:$0x0] =	wrdreg $0x0  }
0xa8: {  	s5 =	sshll.u32 s28, $0x1;
	[dreg:$0x2] =	wrdreg s3  }
0xa9: {  	[dreg:$0x3] =	wrdreg s5  }
0xaa: {  	[dreg:$0x4] =	wrdreg $0xC0  }
0xab: {  	_ =	task [dreg:s7], $0x5FFFF  }
0xac: {  	[dreg:$0x1] =	wrdreg $0xFFFFFFFF  }
0xad: {  	[dreg:$0x0] =	wrdreg $0x60  }
0xae: {  	[dreg:$0x2] =	wrdreg s2  }
0xaf: {  	[dreg:$0x3] =	wrdreg s24  }
0xb0: {  	[dreg:$0x4] =	wrdreg $0xFE000  }
0xb1: {  	[dreg:$0x5] =	wrdreg $0x4A000  }
0xb2: {  	[dreg:$0x6] =	wrdreg $0x9  }
0xb3: {  	_ =	task.clear_ibuf [dreg:s7], $0x7FFFF;
	_ =	strace $0x90000046  }
0xb4: {  	s29 =	simm.s32 $0x9;
	_ =	strace $0x80000048  }
0xb5: {  	_ =	swait.ge [sflag:s29], $0x1  }
0xb6: {  	[sflag:s29] =	ssyncadd.s32 $0xFFFFFFFF  }
0xb7: {  	_ =	strace $0x90000048  }
0xb8: {  	_ =	sfence  }
0xb9: {  	s30 =	sld [smem:$0x0];
	_ =	sdelay $0x2  }
0xba: {  	s31 =	sshll.u32 s1, $0xD;
	s1 =	sshrl.u32 s1, $0x2  }
0xbb: {  	s3 =	sand.u32 $0x4000, s31;
	s1 =	sadd.s32 s1, s30  }
0xbc: {  	s0 =	sor.u32 s3, s0;
	s1 =	sshll.u32 s1, $0x11  }
0xbd: {  	s0 =	sor.u32 s1, s0  }
0xbe: {  	s0 =	sadd.s32 $0x8F2B, s0  }
0xbf: {  	[sflag:s0] =	ssyncadd.remote.s32 $0x1  }
0xc0: {  	_ =	sfence.sel $0xFFFF  }
0xc1: {  	[dreg:$0x0] =	wrdreg $0xFFFFFFFF;
	(pc) =	sbr.abs _section_cstart, $3  }
0xc2: {  	[dreg:$0x1] =	wrdreg $0xFFFFFFFF  }
0xc3: {  	_ =	task.clear_ibuf [dreg:s7], $0x2FFFF;
	_ =	strace $0x9FFFFFFF  }
0xc4: {  	(tm) =	ssettm $0x7FFFFFFF  }
0xc5: {  	_ =	shalt  }
tec
execute0_lowered:
.L_overlay_start_1:
0x0: {  	(tag) =	ssettag $0x1  }
0x1: {  	s1 =	rddreg [dreg:$0x0]  }
0x2: {  	s2 =	rddreg [dreg:$0x1];
	s0 =	stileid.u32  }
0x3: {  	s3 =	rddreg [dreg:$0x2];
	s9 =	smul.u32 $0x16800, s0  }
0x4: {  	s5 =	srdreg.scid;
	s10 =	smul.u32 $0x16140, s0  }
0x5: {  	s4 =	rddreg [dreg:$0x3];
	s28 =	simm.s32 $0x1;
	s11 =	smul.u32 $0x2D000, s0  }
0x6: {  	s29 =	simm.s32 $0x2;
	s30 =	simm.s32 $0x180;
	s15 =	smul.u32 $0xB80, s0  }
0x7: {  	s31 =	simm.s32 $0x0;
	s14 =	sand.u32 $0x1, s5;
	s17 =	smul.u32 $0x4400, s0  }
0x8: {  	s5 =	simm.s32 $0x0;
	s16 =	sadd.s32 $0x1600, s2;
	s18 =	smul.u32 $0x880, s0  }
0x9: {  	s23 =	sshll.u32 s0, $0x6;
	s6 =	smul.u32 $0x168000, s14;
	[smem:$0x7FF] =	sst s5  }
0xa: {  	s8 =	ssub.s32 $0x2, s14;
	p0 =	seq.s32 s14, $0x1;
	_ =	strace $0x80000047  }
0xb: {  	s20 =	sshrl.u32 s8, $0x1;
	s21 =	sshrl.u32 s10, $0x1;
	s22 =	sshrl.u32 s10, $0x4  }
0xc: {  	s24 =	sshrl.u32 s11, $0x2;
	s17 =	sshrl.u32 s17, $0x3;
	s14 =	sadd.s32 s16, s15  }
0xd: {  	s15 =	sadd.s32 s16, s18;
	s6 =	sadd.s32 s9, s6;
	s20 =	ssub.s32 s8, s20  }
0xe: {  	s21 =	sadd.s32 s21, s3;
	s8 =	sor.u32 $0x1C03, s23;
	s9 =	sshrl.u32 s9, $0x1  }
0xf: {  	s13 =	sadd.s32 s24, s4;
	s25 =	sadd.s32 s16, s17;
	s26 =	sadd.s32 $0x20, s14  }
0x10: {  	s17 =	sadd.s32 $0xB800, s15;
	s23 =	simm.s32 $0x200;
	s24 =	simm.s32 $0x80  }
0x11: {  	s7 =	sshrl.u32 s6, $0x4;
	s6 =	sadd.s32 $0x1000, s2;
	s9 =	sadd.s32 s9, s4  }
.Ltmp0:
0x12: {  	s10 =	sadd.s32 $0x2400, s13;
	s11 =	sadd.s32 $0x4800, s13;
	(pc) =	sbr.rel .LBB2_1-.Ltmp0, $4  }
0x13: {  	s12 =	sadd.s32 $0x6C00, s13;
	s13 =	sadd.s32 $0x9000, s13;
	[dreg:$0x5] =	wrdreg s26  }
0x14: {  	s18 =	sadd.s32 $0xB820, s25;
	s20 =	smax.u32 s20, $0x1;
	s21 =	sshrl.u32 s21, $0x3  }
0x15: {  	s25 =	simm.s32 $0x100;
	s26 =	simm.s32 $0x2600;
	s2 =	sadd.s32 s7, s2  }
0x16: {  	s7 =	sadd.s32 s1, s22;
	s22 =	simm.s32 $0x3;
	s19 =	sadd.s32 $0x15600, s2  }
.LBB2_7:
0x17: {  	[tilespmem:s26], [sflag:$0x2] =	stream.indirect.gather [spmem:s3], $0x48, s25, s24, $0xb8;
	[tilespmem:$0x1AEA0] =	vst v63  }
.LBB2_8:
0x18: {  	_ =	swait.ge [sflag:s28], $0x2400  }
0x19: {  	[sflag:s28] =	ssyncset.done $0x0  }
0x1a: {  	[sflag:s28] =	ssyncadd.s32 $0xFFFFDC00  }
0x1b: {  	[spmem:s4] =	stream.indirect.scatter.add.bf16 [tilespmem:s23], [sflag:$0x3], $0x48, s24, s24, $0xb8;
	[tilespmem:$0x1AEA0] =	vst v63  }
0x1c: {  	_ =	swait.ge [sflag:s22], $0x2400  }
0x1d: {  	[sflag:s22] =	ssyncset.done $0x0  }
0x1e: {  	[sflag:s22] =	ssyncadd.s32 $0xFFFFDC00  }
0x1f: {  	_ =	swait.ge [sflag:s29], $0x2400  }
0x20: {  	[sflag:s29] =	ssyncset.done $0x0  }
0x21: {  	[sflag:s29] =	ssyncadd.s32 $0xFFFFDC00  }
0x22: {  	[spmem:s4] =	stream.indirect.scatter.add.bf16 [tilespmem:s26], [sflag:$0x3], $0x48, s30, s24, $0xb8;
	[tilespmem:$0x1AEA0] =	vst v63  }
0x23: {  	_ =	swait.ge [sflag:s22], $0x2400  }
0x24: {  	s31 =	sadd.s32 $0x1, s31;
	[sflag:s22] =	ssyncset.done $0x0  }
0x25: {  	p1 =	sne.s32 s31, s20;
	[sflag:s22] =	ssyncadd.s32 $0xFFFFDC00  }
.Ltmp1:
0x26: {  	s0 =	sshrl.u32 s9, $0x3;
	[bflag:$0x0] =	sbarrier.arrive $0xFFFF;
	(pc) =	sbr.rel @!p1 .LBB2_9-.Ltmp1, $4  }
0x27: {  	[hbm:s19], [sflag:s8] =	dma.local [spmem:s0], $0x1680  }
0x28: {  	_ =	swait.ge [sflag:s22], $0x1680  }
0x29: {  	[sflag:s22] =	ssyncset.done $0x0  }
0x2a: {  	[sflag:s22] =	ssyncadd.s32 $0xFFFFE980  }
.LBB2_1:
0x2b: {  	[spmem:s21], [sflag:s8] =	dma.local [hbm:s7], $0x1614  }
0x2c: {  	_ =	swait.ge [sflag:s22], $0x1614  }
0x2d: {  	[sflag:s22] =	ssyncset.done $0x0  }
0x2e: {  	[sflag:s22] =	ssyncadd.s32 $0xFFFFE9EC  }
0x2f: {  	[tilespmem:s23], [sflag:$0x3] =	stream.linear.gather [hbm4b:s6+s5], $0x2400, $0x38;
	[tilespmem:$0x1AEA0] =	vst v63  }
0x30: {  	_ =	swait.ge [sflag:s22], $0x2400  }
0x31: {  	[sflag:s22] =	ssyncset.done $0x0  }
0x32: {  	[sflag:s22] =	ssyncadd.s32 $0xFFFFDC00  }
0x33: {  	[spmem:s9] =	stream.linear.scatter [tilespmem:s23], [sflag:$0x3], $0x2400, $0x38;
	[tilespmem:$0x1AEA0] =	vst v63  }
0x34: {  	_ =	swait.ge [sflag:s22], $0x2400  }
0x35: {  	[sflag:s22] =	ssyncset.done $0x0  }
0x36: {  	[sflag:s22] =	ssyncadd.s32 $0xFFFFDC00  }
0x37: {  	[spmem:s10] =	stream.linear.scatter [tilespmem:s23], [sflag:$0x3], $0x2400, $0x38;
	[tilespmem:$0x1AEA0] =	vst v63  }
0x38: {  	_ =	swait.ge [sflag:s22], $0x2400  }
0x39: {  	[sflag:s22] =	ssyncset.done $0x0  }
0x3a: {  	[sflag:s22] =	ssyncadd.s32 $0xFFFFDC00  }
0x3b: {  	[spmem:s11] =	stream.linear.scatter [tilespmem:s23], [sflag:$0x3], $0x2400, $0x38;
	[tilespmem:$0x1AEA0] =	vst v63  }
0x3c: {  	_ =	swait.ge [sflag:s22], $0x2400  }
0x3d: {  	[sflag:s22] =	ssyncset.done $0x0  }
0x3e: {  	[sflag:s22] =	ssyncadd.s32 $0xFFFFDC00  }
0x3f: {  	[spmem:s12] =	stream.linear.scatter [tilespmem:s23], [sflag:$0x3], $0x2400, $0x38;
	[tilespmem:$0x1AEA0] =	vst v63  }
0x40: {  	_ =	swait.ge [sflag:s22], $0x2400  }
0x41: {  	[sflag:s22] =	ssyncset.done $0x0  }
0x42: {  	[sflag:s22] =	ssyncadd.s32 $0xFFFFDC00  }
0x43: {  	[spmem:s13] =	stream.linear.scatter [tilespmem:s23], [sflag:$0x3], $0x2400, $0x38;
	[tilespmem:$0x1AEA0] =	vst v63  }
.Ltmp2:
0x44: {  	_ =	swait.ge [sflag:s22], $0x2400;
	(pc) =	sbr.rel @!p0 .LBB2_2-.Ltmp2, $3  }
0x45: {  	[sflag:s22] =	ssyncset.done $0x0  }
0x46: {  	[sflag:s22] =	ssyncadd.s32 $0xFFFFDC00  }
0x47: {  	[bflag:$0x0] =	sbarrier.arrive $0xFFFF;
	_ =	sdelay $0x1  }
0x48: {  	[tilespmem:s5], [sflag:$0x3] =	stream.linear.gather [hbm4b:s17+s5], $0x100, $0x38;
	[tilespmem:$0x1AEA0] =	vst v63  }
0x49: {  	_ =	swait.ge [sflag:s22], $0x100  }
0x4a: {  	[sflag:s22] =	ssyncset.done $0x0  }
0x4b: {  	[sflag:s22] =	ssyncadd.s32 $0xFFFFFF00  }
0x4c: {  	[tilespmem:s23], [sflag:$0x1] =	stream.indirect.gather [spmem:s3], $0x48, s5, s24, $0xb8;
	[tilespmem:$0x1AEA0] =	vst v63  }
0x4d: {  	_ = 	snop  }
0x4e: {  	[tilespmem:s25], [sflag:$0x3] =	stream.linear.gather [hbm4b:s18+s5], $0x100, $0x38;
	[tilespmem:$0x1AEA0] =	vst v63  }
0x4f: {  	_ =	swait.ge [sflag:s22], $0x100  }
0x50: {  	[sflag:s22] =	ssyncset.done $0x0  }
0x51: {  	[sflag:s22] =	ssyncadd.s32 $0xFFFFFF00  }
0x52: {  	[tilespmem:s26], [sflag:$0x2] =	stream.indirect.gather [spmem:s3], $0x48, s25, s24, $0xb8;
	[tilespmem:$0x1AEA0] =	vst v63  }
0x53: {  	_ =	swait.ge [sflag:s28], $0x2400  }
0x54: {  	[sflag:s28] =	ssyncset.done $0x0  }
0x55: {  	[sflag:s28] =	ssyncadd.s32 $0xFFFFDC00  }
0x56: {  	[spmem:s4] =	stream.indirect.scatter.add.bf16 [tilespmem:s23], [sflag:$0x3], $0x48, s24, s24, $0xb8;
	[tilespmem:$0x1AEA0] =	vst v63  }
0x57: {  	_ =	swait.ge [sflag:s22], $0x2400  }
0x58: {  	s0 =	sadd.s32 $0xFFFFF7C0, s15;
	[sflag:s22] =	ssyncset.done $0x0  }
0x59: {  	s2 =	sadd.s32 $0xC080, s0;
	[sflag:s22] =	ssyncadd.s32 $0xFFFFDC00  }
0x5a: {  	[tilespmem:s5], [sflag:$0x3] =	stream.linear.gather [hbm4b:s2+s5], $0x100, $0x38;
	[tilespmem:$0x1AEA0] =	vst v63  }
0x5b: {  	_ =	swait.ge [sflag:s22], $0x100  }
0x5c: {  	[sflag:s22] =	ssyncset.done $0x0  }
0x5d: {  	[sflag:s22] =	ssyncadd.s32 $0xFFFFFF00  }
0x5e: {  	[tilespmem:s23], [sflag:$0x1] =	stream.indirect.gather [spmem:s3], $0x48, s5, s24, $0xb8;
	[tilespmem:$0x1AEA0] =	vst v63  }
0x5f: {  	_ =	swait.ge [sflag:s29], $0x2400  }
0x60: {  	[sflag:s29] =	ssyncset.done $0x0  }
0x61: {  	[sflag:s29] =	ssyncadd.s32 $0xFFFFDC00  }
0x62: {  	[spmem:s4] =	stream.indirect.scatter.add.bf16 [tilespmem:s26], [sflag:$0x3], $0x48, s30, s24, $0xb8;
	[tilespmem:$0x1AEA0] =	vst v63  }
0x63: {  	_ =	swait.ge [sflag:s22], $0x2400  }
0x64: {  	[sflag:s22] =	ssyncset.done $0x0  }
0x65: {  	s0 =	sadd.s32 $0xC0A0, s0;
	[sflag:s22] =	ssyncadd.s32 $0xFFFFDC00  }
0x66: {  	[tilespmem:s25], [sflag:$0x3] =	stream.linear.gather [hbm4b:s0+s5], $0x100, $0x38;
	[tilespmem:$0x1AEA0] =	vst v63  }
0x67: {  	_ =	swait.ge [sflag:s22], $0x100  }
0x68: {  	[sflag:s22] =	ssyncset.done $0x0  }
0x69: {  	s2 =	simm.s32 $0xFFFFF800;
	[sflag:s22] =	ssyncadd.s32 $0xFFFFFF00  }
.LBB2_6:
0x6a: {  	[tilespmem:s26], [sflag:$0x2] =	stream.indirect.gather [spmem:s3], $0x48, s25, s24, $0xb8;
	[tilespmem:$0x1AEA0] =	vst v63  }
0x6b: {  	s0 =	smov.u32 s2  }
0x6c: {  	p1 =	sne.s32 s2, $0xFFFFFFC0;
	s2 =	sadd.s32 $0x40, s2;
	_ =	swait.ge [sflag:s28], $0x2400  }
0x6d: {  	[sflag:s28] =	ssyncset.done $0x0  }
0x6e: {  	[sflag:s28] =	ssyncadd.s32 $0xFFFFDC00  }
0x6f: {  	[spmem:s4] =	stream.indirect.scatter.add.bf16 [tilespmem:s23], [sflag:$0x3], $0x48, s24, s24, $0xb8;
	[tilespmem:$0x1AEA0] =	vst v63  }
0x70: {  	_ =	swait.ge [sflag:s22], $0x2400  }
0x71: {  	s0 =	sadd.s32 s0, s15;
	[sflag:s22] =	ssyncset.done $0x0  }
0x72: {  	s16 =	sadd.s32 $0xC080, s0;
	[sflag:s22] =	ssyncadd.s32 $0xFFFFDC00  }
0x73: {  	[tilespmem:s5], [sflag:$0x3] =	stream.linear.gather [hbm4b:s16+s5], $0x100, $0x38;
	[tilespmem:$0x1AEA0] =	vst v63  }
0x74: {  	_ =	swait.ge [sflag:s22], $0x100  }
0x75: {  	[sflag:s22] =	ssyncset.done $0x0  }
0x76: {  	[sflag:s22] =	ssyncadd.s32 $0xFFFFFF00  }
0x77: {  	[tilespmem:s23], [sflag:$0x1] =	stream.indirect.gather [spmem:s3], $0x48, s5, s24, $0xb8;
	[tilespmem:$0x1AEA0] =	vst v63  }
0x78: {  	_ =	swait.ge [sflag:s29], $0x2400  }
0x79: {  	[sflag:s29] =	ssyncset.done $0x0  }
0x7a: {  	[sflag:s29] =	ssyncadd.s32 $0xFFFFDC00  }
0x7b: {  	[spmem:s4] =	stream.indirect.scatter.add.bf16 [tilespmem:s26], [sflag:$0x3], $0x48, s30, s24, $0xb8;
	[tilespmem:$0x1AEA0] =	vst v63  }
0x7c: {  	_ =	swait.ge [sflag:s22], $0x2400  }
0x7d: {  	[sflag:s22] =	ssyncset.done $0x0  }
.Ltmp3:
0x7e: {  	s0 =	sadd.s32 $0xC0A0, s0;
	[sflag:s22] =	ssyncadd.s32 $0xFFFFDC00;
	(pc) =	sbr.rel @p1 .LBB2_6-.Ltmp3, $4  }
0x7f: {  	[tilespmem:s25], [sflag:$0x3] =	stream.linear.gather [hbm4b:s0+s5], $0x100, $0x38;
	[tilespmem:$0x1AEA0] =	vst v63  }
0x80: {  	_ =	swait.ge [sflag:s22], $0x100  }
0x81: {  	[sflag:s22] =	ssyncset.done $0x0  }
0x82: {  	[sflag:s22] =	ssyncadd.s32 $0xFFFFFF00  }
.Ltmp4:
0x83: {  	_ = 	snop;
	(pc) =	sbr.rel .LBB2_7-.Ltmp4, $1  }
0x84: {  	_ =	sdelay $0x3  }
.LBB2_2:
0x85: {  	[tilespmem:s5], [sflag:$0x3] =	stream.linear.gather [hbm4b:s14+s5], $0x100, $0x38;
	[tilespmem:$0x1AEA0] =	vst v63  }
0x86: {  	_ =	swait.ge [sflag:s22], $0x100  }
0x87: {  	[sflag:s22] =	ssyncset.done $0x0  }
0x88: {  	[sflag:s22] =	ssyncadd.s32 $0xFFFFFF00  }
0x89: {  	[tilespmem:s23], [sflag:$0x1] =	stream.indirect.gather [hbm4b:s1+s24], $0x48, s5, s24, $0xb8;
	[tilespmem:$0x1AEA0] =	vst v63  }
0x8a: {  	s0 =	rddreg [dreg:$0x5]  }
0x8b: {  	[tilespmem:s25], [sflag:$0x3] =	stream.linear.gather [hbm4b:s0+s5], $0x100, $0x38;
	[tilespmem:$0x1AEA0] =	vst v63  }
0x8c: {  	_ =	swait.ge [sflag:s22], $0x100  }
0x8d: {  	[sflag:s22] =	ssyncset.done $0x0  }
0x8e: {  	[sflag:s22] =	ssyncadd.s32 $0xFFFFFF00  }
0x8f: {  	[tilespmem:s26], [sflag:$0x2] =	stream.indirect.gather [spmem:s3], $0x48, s25, s24, $0xb8;
	[tilespmem:$0x1AEA0] =	vst v63  }
0x90: {  	_ =	swait.ge [sflag:s28], $0x2400  }
0x91: {  	[sflag:s28] =	ssyncset.done $0x0  }
0x92: {  	[sflag:s28] =	ssyncadd.s32 $0xFFFFDC00  }
0x93: {  	[spmem:s4] =	stream.indirect.scatter.add.bf16 [tilespmem:s23], [sflag:$0x3], $0x48, s24, s24, $0xb8;
	[tilespmem:$0x1AEA0] =	vst v63  }
0x94: {  	_ =	swait.ge [sflag:s22], $0x2400  }
0x95: {  	s2 =	sadd.s32 $0xFFFFF4C0, s14;
	[sflag:s22] =	ssyncset.done $0x0  }
0x96: {  	s16 =	sadd.s32 $0xB80, s2;
	[sflag:s22] =	ssyncadd.s32 $0xFFFFDC00  }
0x97: {  	[tilespmem:s5], [sflag:$0x3] =	stream.linear.gather [hbm4b:s16+s5], $0x100, $0x38;
	[tilespmem:$0x1AEA0] =	vst v63  }
0x98: {  	_ =	swait.ge [sflag:s22], $0x100  }
0x99: {  	[sflag:s22] =	ssyncset.done $0x0  }
0x9a: {  	[sflag:s22] =	ssyncadd.s32 $0xFFFFFF00  }
0x9b: {  	[tilespmem:s23], [sflag:$0x1] =	stream.indirect.gather [hbm4b:s1+s24], $0x48, s5, s24, $0xb8;
	[tilespmem:$0x1AEA0] =	vst v63  }
0x9c: {  	_ =	swait.ge [sflag:s29], $0x2400  }
0x9d: {  	[sflag:s29] =	ssyncset.done $0x0  }
0x9e: {  	[sflag:s29] =	ssyncadd.s32 $0xFFFFDC00  }
0x9f: {  	[spmem:s4] =	stream.indirect.scatter.add.bf16 [tilespmem:s26], [sflag:$0x3], $0x48, s30, s24, $0xb8;
	[tilespmem:$0x1AEA0] =	vst v63  }
0xa0: {  	_ =	swait.ge [sflag:s22], $0x2400  }
0xa1: {  	[sflag:s22] =	ssyncset.done $0x0  }
0xa2: {  	s16 =	sadd.s32 $0xBA0, s2;
	[sflag:s22] =	ssyncadd.s32 $0xFFFFDC00  }
0xa3: {  	[tilespmem:s25], [sflag:$0x3] =	stream.linear.gather [hbm4b:s16+s5], $0x100, $0x38;
	[tilespmem:$0x1AEA0] =	vst v63  }
0xa4: {  	_ =	swait.ge [sflag:s22], $0x100  }
0xa5: {  	[sflag:s22] =	ssyncset.done $0x0  }
0xa6: {  	s2 =	simm.s32 $0xFFFFF500;
	[sflag:s22] =	ssyncadd.s32 $0xFFFFFF00  }
.LBB2_3:
0xa7: {  	[tilespmem:s26], [sflag:$0x2] =	stream.indirect.gather [spmem:s3], $0x48, s25, s24, $0xb8;
	[tilespmem:$0x1AEA0] =	vst v63  }
0xa8: {  	s0 =	smov.u32 s2  }
0xa9: {  	p1 =	seq.s32 s2, $0xFFFFFFC0;
	s2 =	sadd.s32 $0x40, s2;
	_ =	swait.ge [sflag:s28], $0x2400  }
0xaa: {  	[sflag:s28] =	ssyncset.done $0x0  }
0xab: {  	[sflag:s28] =	ssyncadd.s32 $0xFFFFDC00  }
0xac: {  	[spmem:s4] =	stream.indirect.scatter.add.bf16 [tilespmem:s23], [sflag:$0x3], $0x48, s24, s24, $0xb8;
	[tilespmem:$0x1AEA0] =	vst v63  }
0xad: {  	_ =	swait.ge [sflag:s22], $0x2400  }
0xae: {  	s0 =	sadd.s32 s0, s14;
	[sflag:s22] =	ssyncset.done $0x0  }
0xaf: {  	s16 =	sadd.s32 $0xB80, s0;
	[sflag:s22] =	ssyncadd.s32 $0xFFFFDC00  }
0xb0: {  	[tilespmem:s5], [sflag:$0x3] =	stream.linear.gather [hbm4b:s16+s5], $0x100, $0x38;
	[tilespmem:$0x1AEA0] =	vst v63  }
0xb1: {  	_ =	swait.ge [sflag:s22], $0x100  }
0xb2: {  	[sflag:s22] =	ssyncset.done $0x0  }
0xb3: {  	[sflag:s22] =	ssyncadd.s32 $0xFFFFFF00  }
0xb4: {  	[tilespmem:s23], [sflag:$0x1] =	stream.indirect.gather [hbm4b:s1+s24], $0x48, s5, s24, $0xb8;
	[tilespmem:$0x1AEA0] =	vst v63  }
0xb5: {  	_ =	swait.ge [sflag:s29], $0x2400  }
0xb6: {  	[sflag:s29] =	ssyncset.done $0x0  }
0xb7: {  	[sflag:s29] =	ssyncadd.s32 $0xFFFFDC00  }
0xb8: {  	[spmem:s4] =	stream.indirect.scatter.add.bf16 [tilespmem:s26], [sflag:$0x3], $0x48, s30, s24, $0xb8;
	[tilespmem:$0x1AEA0] =	vst v63  }
0xb9: {  	_ =	swait.ge [sflag:s22], $0x2400  }
0xba: {  	[sflag:s22] =	ssyncset.done $0x0  }
.Ltmp5:
0xbb: {  	s0 =	sadd.s32 $0xBA0, s0;
	[sflag:s22] =	ssyncadd.s32 $0xFFFFDC00;
	(pc) =	sbr.rel @!p1 .LBB2_3-.Ltmp5, $4  }
0xbc: {  	[tilespmem:s25], [sflag:$0x3] =	stream.linear.gather [hbm4b:s0+s5], $0x100, $0x38;
	[tilespmem:$0x1AEA0] =	vst v63  }
0xbd: {  	_ =	swait.ge [sflag:s22], $0x100  }
0xbe: {  	[sflag:s22] =	ssyncset.done $0x0  }
0xbf: {  	[sflag:s22] =	ssyncadd.s32 $0xFFFFFF00  }
.Ltmp6:
0xc0: {  	(pc) =	sbr.rel .LBB2_8-.Ltmp6, $2  }
0xc1: {  	_ =	sdelay $0x2  }
0xc2: {  	[tilespmem:s26], [sflag:$0x2] =	stream.indirect.gather [spmem:s3], $0x48, s25, s24, $0xb8;
	[tilespmem:$0x1AEA0] =	vst v63  }
.LBB2_9:
0xc3: {  	_ =	sfence.sel $0x180000  }
0xc4: {  	[bflag:$0x0] =	sbarrier.arrive $0xFFFF  }
0xc5: {  	_ =	strace $0x90000047  }
0xc6: {  	s0 =	stileid.u32;
	[bflag:$0x2] =	sbarrier.arrive $0xFFFF  }
0xc7: {  	p0 =	sne.s32 s0, $0x0;
	s0 =	rddreg [dreg:$0x4]  }
0xc8: {  	s0 =	sadd.s32 @!p0 $0x100000, s0  }
0xc9: {  	[sflag:s0] =	ssyncadd.tile.s32 @!p0 $0x1;
	_ =	shalt  }
.Lfunc_end2:
_tile_overlayer_lowered:
.L_overlay_start_2:
0xca: {  	(tag) =	ssettag $0x2  }
0xcb: {  	s0 =	rddreg [dreg:$0x0];
	s2 =	stileid.u32  }
0xcc: {  	s1 =	rddreg [dreg:$0x1];
	p0 =	sne.s32 s2, $0x0  }
0xcd: {  	s3 =	rddreg [dreg:$0x2];
	[bflag:$0x3] =	sbarrier.arrive $0xFFFF;
	s2 =	simm.s32 @!p0 $0x1C03  }
0xce: {  	[timem:s3], [sflag:s2] =	dma.local @!p0 [hbm:s0], s1  }
0xcf: {  	s0 =	simm.s32 @!p0 $0x3  }
0xd0: {  	_ =	swait.ge @!p0 [sflag:s0], s1  }
0xd1: {  	s1 =	ssub.s32 @!p0 $0x0, s1;
	[sflag:s0] =	ssyncset.done @!p0 $0x0  }
0xd2: {  	[sflag:s0] =	ssyncadd.s32 @!p0 s1  }
0xd3: {  	[bflag:$0x3] =	sbarrier.arrive $0xFFFF  }
0xd4: {  	_ =	shalt  }

</sc_bundles>
